<compile_context>
chip_gen: v7x
topology: tpu7x:2x2x1
jax: 0.10.2.dev20260603
libtpu: 0.0.44.dev20260713+nightly
codegen_flags: <defaults>
</compile_context>

<pallas_src>
import jax
import jax.numpy as jnp
from jax import lax
from jax.experimental import pallas as pl
from jax.experimental.pallas import tpu as pltpu
from jax.experimental.pallas import tpu_sc as plsc

N_NODES = 10000
N_EDGES = 320000
D_FEAT = 128
HIDDEN = 64
N_CLASSES = 2
N_GRAPHS = 16

NC = 2
NS = 16
NW = NC * NS

NACC = 10240
CH = 128
EPW = 10240
EPAD = EPW * NW
CHUNKS = EPW // CH
RPW = N_NODES // NS

NBUF = 8
GROUPS = CHUNKS // NBUF

_SC_MESH = plsc.VectorSubcoreMesh(
    core_axis_name="c", subcore_axis_name="s", num_cores=NC, num_subcores=NS)


def _agg_body(y_ref, src_ref, dst_ref, zero_ref, out_ref, *scratch):
  sidx, didx = scratch[0], scratch[1]
  rows = scratch[2:2 + NBUF]
  gsem = scratch[2 + NBUF:2 + 2 * NBUF]
  ssem = scratch[2 + 2 * NBUF:2 + 3 * NBUF]
  acc = scratch[2 + 3 * NBUF]
  c = lax.axis_index("c")
  s = lax.axis_index("s")
  w = c * NS + s
  rbase = s * RPW
  pltpu.sync_copy(src_ref.at[pl.ds(w * EPW, EPW)], sidx)
  pltpu.sync_copy(dst_ref.at[pl.ds(w * EPW, EPW)], didx)
  pltpu.sync_copy(zero_ref.at[pl.ds(rbase, RPW)], acc.at[pl.ds(rbase, RPW)])
  plsc.subcore_barrier()

  for b in range(NBUF):
    pltpu.async_copy(y_ref.at[sidx.at[pl.ds(b * CH, CH)]], rows[b], gsem[b])

  def group(j, carry):
    base = j * NBUF
    for b in range(NBUF):
      pltpu.make_async_copy(
          y_ref.at[sidx.at[pl.ds((base + b) * CH, CH)]], rows[b],
          gsem[b]).wait()
      pltpu.async_copy(rows[b], acc.at[didx.at[pl.ds((base + b) * CH, CH)]], ssem[b], add=True)
    for b in range(NBUF):
      nxt = jnp.minimum(base + NBUF + b, CHUNKS - 1)
      pltpu.make_async_copy(rows[b], acc.at[didx.at[pl.ds(nxt * CH, CH)]], ssem[b]).wait()

      @pl.when(j < GROUPS - 1)
      def _():
        pltpu.async_copy(y_ref.at[sidx.at[pl.ds(nxt * CH, CH)]], rows[b],
                         gsem[b])
    return carry

  lax.fori_loop(0, GROUPS, group, 0)
  plsc.subcore_barrier()
  pltpu.sync_copy(acc.at[pl.ds(rbase, RPW)],
                  out_ref.at[c, pl.ds(rbase, RPW), pl.ds(0, HIDDEN)])


_sc_aggregate = pl.kernel(
    _agg_body,
    out_type=jax.ShapeDtypeStruct((NC, N_NODES, 2 * HIDDEN), jnp.float32),
    mesh=_SC_MESH,
    scratch_types=[
        pltpu.VMEM((EPW,), jnp.int32),
        pltpu.VMEM((EPW,), jnp.int32),
    ] + [pltpu.VMEM((CH, HIDDEN), jnp.float32) for _ in range(NBUF)]
    + [pltpu.SemaphoreType.DMA for _ in range(2 * NBUF)]
    + [pltpu.VMEM_SHARED((NACC, HIDDEN), jnp.float32)],
    compiler_params=pltpu.CompilerParams(use_tc_tiling_on_sc=False),
)



def _proj_body(x_ref, w_ref, o_ref):
  o_ref[...] = lax.dot_general(
      x_ref[...], w_ref[...], (((1,), (1,)), ((), ())),
      preferred_element_type=jnp.float32)


_proj = pl.pallas_call(
    _proj_body,
    out_shape=jax.ShapeDtypeStruct((N_NODES, HIDDEN), jnp.float32),
)


def _stage2_body(y_ref, a_ref, ba_ref, wb_ref, bb_ref, wn_ref, o_ref):
  a0 = a_ref[0, :, 0:HIDDEN]
  a1 = a_ref[1, :, 0:HIDDEN]
  u = jnp.maximum(y_ref[...] + a0 + a1 + ba_ref[...], 0.0)
  h = jnp.maximum(
      lax.dot_general(u, wb_ref[...], (((1,), (1,)), ((), ())),
                      preferred_element_type=jnp.float32) + bb_ref[...], 0.0)
  o_ref[...] = lax.dot_general(
      h, wn_ref[...], (((1,), (1,)), ((), ())),
      preferred_element_type=jnp.float32)


_stage2 = pl.pallas_call(
    _stage2_body,
    out_shape=jax.ShapeDtypeStruct((N_NODES, HIDDEN), jnp.float32),
)


def _stage3_body(y_ref, a_ref, ba_ref, wb_ref, bb_ref, batch_ref,
                 wfc_ref, bfc_ref, o_ref):
  a0 = a_ref[0, :, 0:HIDDEN]
  a1 = a_ref[1, :, 0:HIDDEN]
  u = jnp.maximum(y_ref[...] + a0 + a1 + ba_ref[...], 0.0)
  h = jnp.maximum(
      lax.dot_general(u, wb_ref[...], (((1,), (1,)), ((), ())),
                      preferred_element_type=jnp.float32) + bb_ref[...], 0.0)
  bids = batch_ref[...]
  gids = lax.broadcasted_iota(jnp.int32, (N_GRAPHS, N_NODES), 0)
  m = (bids == gids).astype(jnp.float32)
  sums = lax.dot_general(
      m, h, (((1,), (0,)), ((), ())), preferred_element_type=jnp.float32)
  cnts = jnp.sum(m, axis=1, keepdims=True)
  pooled = sums / jnp.maximum(cnts, 1.0)
  o_ref[...] = lax.dot_general(
      pooled, wfc_ref[...], (((1,), (1,)), ((), ())),
      preferred_element_type=jnp.float32) + bfc_ref[...]


_stage3 = pl.pallas_call(
    _stage3_body,
    out_shape=jax.ShapeDtypeStruct((N_GRAPHS, N_CLASSES), jnp.float32),
)


@jax.jit
def kernel(x, edge_index, batch, W1a, b1a, W1b, b1b, W2a, b2a, W2b, b2b,
           Wfc, bfc):
  ei = edge_index
  epad = EPAD - N_EDGES
  fill = jnp.arange(epad, dtype=jnp.int32) % (NACC - N_NODES)
  src = jnp.concatenate([ei[0], fill])
  dst = jnp.concatenate([ei[1], N_NODES + fill])
  batch2d = batch.astype(jnp.int32).reshape(1, N_NODES)
  zeros = jnp.zeros((N_NODES, HIDDEN), jnp.float32)

  y1 = _proj(x, W1a)
  a1 = _sc_aggregate(y1, src, dst, zeros)
  y2 = _stage2(y1, a1, b1a.reshape(1, HIDDEN), W1b,
               b1b.reshape(1, HIDDEN), W2a)
  a2 = _sc_aggregate(y2, src, dst, zeros)
  out = _stage3(y2, a2, b2a.reshape(1, HIDDEN), W2b,
                b2b.reshape(1, HIDDEN), batch2d, Wfc,
                bfc.reshape(1, N_CLASSES))
  return out

# --- scband reference (transcript-rebuilt; emitter-appended) ---
"""Pipeline reference for scband-graph-gin-88072599372184 (READ-ONLY COPY).

The authoritative reference and input builder live on the scoring server;
editing this copy changes nothing except your own understanding.
"""

import jax, jax.numpy as jnp
import numpy as np

N_NODES = 10000
N_EDGES = 320000
D_FEAT = 128
HIDDEN = 64
N_CLASSES = 2
N_GRAPHS = 16


def _init_linear(key, out_f, in_f):
    kw, kb = jax.random.split(key)
    bound = 1.0 / np.sqrt(in_f)
    W = jax.random.uniform(kw, (out_f, in_f), minval=-bound, maxval=bound, dtype=jnp.float32)
    b = jax.random.uniform(kb, (out_f,), minval=-bound, maxval=bound, dtype=jnp.float32)
    return W, b


def setup_inputs(seed: int = 0) -> dict:
    key = jax.random.key(seed)
    ks = jax.random.split(key, 8)
    x = jax.random.normal(ks[0], (N_NODES, D_FEAT), dtype=jnp.float32)
    edge_index = jax.random.randint(ks[1], (2, N_EDGES), 0, N_NODES)
    batch = jnp.sort(jax.random.randint(ks[2], (N_NODES,), 0, N_GRAPHS))
    W1a, b1a = _init_linear(ks[3], HIDDEN, D_FEAT)
    W1b, b1b = _init_linear(ks[4], HIDDEN, HIDDEN)
    W2a, b2a = _init_linear(ks[5], HIDDEN, HIDDEN)
    W2b, b2b = _init_linear(ks[6], HIDDEN, HIDDEN)
    Wfc, bfc = _init_linear(ks[7], N_CLASSES, HIDDEN)
    return {"x": x, "edge_index": edge_index, "batch": batch,
            "W1a": W1a, "b1a": b1a, "W1b": W1b, "b1b": b1b,
            "W2a": W2a, "b2a": b2a, "W2b": W2b, "b2b": b2b,
            "Wfc": Wfc, "bfc": bfc}


def _gin_conv(h, edge_index, Wa, ba, Wb, bb):
    # GINConv with eps=0: MLP((1+eps)*x + sum_{j in N(i)} x_j)
    src = edge_index[0]
    dst = edge_index[1]
    agg = jnp.zeros_like(h).at[dst].add(h[src])
    z = h + agg
    z = jnp.maximum(z @ Wa.T + ba, 0.0)
    return z @ Wb.T + bb


def reference(x, edge_index, batch, W1a, b1a, W1b, b1b, W2a, b2a, W2b, b2b, Wfc, bfc):
    h = jnp.maximum(_gin_conv(x, edge_index, W1a, b1a, W1b, b1b), 0.0)
    h = jnp.maximum(_gin_conv(h, edge_index, W2a, b2a, W2b, b2b), 0.0)
    sums = jax.ops.segment_sum(h, batch, num_segments=N_GRAPHS)
    counts = jax.ops.segment_sum(jnp.ones((h.shape[0], 1), dtype=h.dtype), batch, num_segments=N_GRAPHS)
    pooled = sums / jnp.maximum(counts, 1.0)
    return pooled @ Wfc.T + bfc

if __name__ == "__main__":
    import jax
    _d = setup_inputs()
    print(jax.jit(kernel)(*tuple(_d.values())))

</pallas_src>

<mosaic_0001>
#map = affine_map<(d0, d1) -> (0, 0)>
#map1 = affine_map<(d0, d1) -> (0)>
#map2 = affine_map<(d0, d1) -> (0, 0, 0)>
module attributes {stable_mosaic.version = 14 : i64} {
  func.func @_agg_body(%arg0: i32, %arg1: i32, %arg2: memref<10000x64xf32, #tpu.memory_space<hbm>>, %arg3: memref<327680xi32, #tpu.memory_space<hbm>>, %arg4: memref<327680xi32, #tpu.memory_space<hbm>>, %arg5: memref<10000x64xf32, #tpu.memory_space<hbm>>, %arg6: memref<2x10000x128xf32, #tpu.memory_space<hbm>>, %arg7: memref<10240xi32, #tpu.memory_space<vmem>>, %arg8: memref<10240xi32, #tpu.memory_space<vmem>>, %arg9: memref<128x64xf32, #tpu.memory_space<vmem>>, %arg10: memref<128x64xf32, #tpu.memory_space<vmem>>, %arg11: memref<128x64xf32, #tpu.memory_space<vmem>>, %arg12: memref<128x64xf32, #tpu.memory_space<vmem>>, %arg13: memref<128x64xf32, #tpu.memory_space<vmem>>, %arg14: memref<128x64xf32, #tpu.memory_space<vmem>>, %arg15: memref<128x64xf32, #tpu.memory_space<vmem>>, %arg16: memref<128x64xf32, #tpu.memory_space<vmem>>, %arg17: memref<!tpu.dma_semaphore, #tpu.memory_space<semaphore_mem>>, %arg18: memref<!tpu.dma_semaphore, #tpu.memory_space<semaphore_mem>>, %arg19: memref<!tpu.dma_semaphore, #tpu.memory_space<semaphore_mem>>, %arg20: memref<!tpu.dma_semaphore, #tpu.memory_space<semaphore_mem>>, %arg21: memref<!tpu.dma_semaphore, #tpu.memory_space<semaphore_mem>>, %arg22: memref<!tpu.dma_semaphore, #tpu.memory_space<semaphore_mem>>, %arg23: memref<!tpu.dma_semaphore, #tpu.memory_space<semaphore_mem>>, %arg24: memref<!tpu.dma_semaphore, #tpu.memory_space<semaphore_mem>>, %arg25: memref<!tpu.dma_semaphore, #tpu.memory_space<semaphore_mem>>, %arg26: memref<!tpu.dma_semaphore, #tpu.memory_space<semaphore_mem>>, %arg27: memref<!tpu.dma_semaphore, #tpu.memory_space<semaphore_mem>>, %arg28: memref<!tpu.dma_semaphore, #tpu.memory_space<semaphore_mem>>, %arg29: memref<!tpu.dma_semaphore, #tpu.memory_space<semaphore_mem>>, %arg30: memref<!tpu.dma_semaphore, #tpu.memory_space<semaphore_mem>>, %arg31: memref<!tpu.dma_semaphore, #tpu.memory_space<semaphore_mem>>, %arg32: memref<!tpu.dma_semaphore, #tpu.memory_space<semaphore_mem>>, %arg33: memref<10240x64xf32, #tpu.memory_space<vmem_shared>>) attributes {dimension_semantics = [#tpu.dimension_semantics<core_parallel>, #tpu.dimension_semantics<subcore_parallel>], iteration_bounds = array<i64: 2, 16>, scalar_prefetch = 0 : i64, scratch_operands = 27 : i64, tpu.core_type = #tpu.core_type<sc_vector_subcore>, window_params = [{transform_indices = #map}, {transform_indices = #map1}, {transform_indices = #map1}, {transform_indices = #map}, {transform_indices = #map2}]} {
    %mul3A = arith.constant 16 : i32
    %mul3A_0 = arith.muli %arg0, %mul3A : i32
    %add3A = arith.addi %mul3A_0, %arg1 : i32
    %mul3A_1 = arith.constant 625 : i32
    %mul3A_2 = arith.muli %arg1, %mul3A_1 : i32
    %mul3A_3 = arith.constant 10240 : i32
    %mul3A_4 = arith.muli %add3A, %mul3A_3 : i32
    "tpu.region"() ({
      %run_scoped3A = tpu.sem_alloc : memref<!tpu.dma_semaphore, #tpu.memory_space<semaphore_mem>>
      %dma_start3A_52 = tpu.memref_slice %arg3[%mul3A_4] : memref<327680xi32, #tpu.memory_space<hbm>> -> memref<10240xi32, #tpu.memory_space<hbm>>
      %dma_start3A_53 = tpu.memref_slice %arg3[%mul3A_4] : memref<327680xi32, #tpu.memory_space<hbm>> -> memref<10240xi32, #tpu.memory_space<hbm>>
      tpu.enqueue_dma source(%dma_start3A_53 : memref<10240xi32, #tpu.memory_space<hbm>>) target(%arg7 : memref<10240xi32, #tpu.memory_space<vmem>>) target_semaphore(%run_scoped3A : memref<!tpu.dma_semaphore, #tpu.memory_space<semaphore_mem>>)
      %dma_wait3A = tpu.memref_slice %arg3[%mul3A_4] : memref<327680xi32, #tpu.memory_space<hbm>> -> memref<10240xi32, #tpu.memory_space<hbm>>
      %dma_wait3A_54 = tpu.memref_slice %arg3[%mul3A_4] : memref<327680xi32, #tpu.memory_space<hbm>> -> memref<10240xi32, #tpu.memory_space<hbm>>
      tpu.wait_dma2 semaphore(%run_scoped3A : memref<!tpu.dma_semaphore, #tpu.memory_space<semaphore_mem>>) src(%dma_wait3A_54 : memref<10240xi32, #tpu.memory_space<hbm>>) dst(%arg7 : memref<10240xi32, #tpu.memory_space<vmem>>)
      tpu.yield
    }) : () -> ()
    %mul3A_5 = arith.constant 10240 : i32
    %mul3A_6 = arith.muli %add3A, %mul3A_5 : i32
    "tpu.region"() ({
      %run_scoped3A = tpu.sem_alloc : memref<!tpu.dma_semaphore, #tpu.memory_space<semaphore_mem>>
      %dma_start3A_52 = tpu.memref_slice %arg4[%mul3A_6] : memref<327680xi32, #tpu.memory_space<hbm>> -> memref<10240xi32, #tpu.memory_space<hbm>>
      %dma_start3A_53 = tpu.memref_slice %arg4[%mul3A_6] : memref<327680xi32, #tpu.memory_space<hbm>> -> memref<10240xi32, #tpu.memory_space<hbm>>
      tpu.enqueue_dma source(%dma_start3A_53 : memref<10240xi32, #tpu.memory_space<hbm>>) target(%arg8 : memref<10240xi32, #tpu.memory_space<vmem>>) target_semaphore(%run_scoped3A : memref<!tpu.dma_semaphore, #tpu.memory_space<semaphore_mem>>)
      %dma_wait3A = tpu.memref_slice %arg4[%mul3A_6] : memref<327680xi32, #tpu.memory_space<hbm>> -> memref<10240xi32, #tpu.memory_space<hbm>>
      %dma_wait3A_54 = tpu.memref_slice %arg4[%mul3A_6] : memref<327680xi32, #tpu.memory_space<hbm>> -> memref<10240xi32, #tpu.memory_space<hbm>>
      tpu.wait_dma2 semaphore(%run_scoped3A : memref<!tpu.dma_semaphore, #tpu.memory_space<semaphore_mem>>) src(%dma_wait3A_54 : memref<10240xi32, #tpu.memory_space<hbm>>) dst(%arg8 : memref<10240xi32, #tpu.memory_space<vmem>>)
      tpu.yield
    }) : () -> ()
    "tpu.region"() ({
      %run_scoped3A = tpu.sem_alloc : memref<!tpu.dma_semaphore, #tpu.memory_space<semaphore_mem>>
      %dma_start3A_52 = arith.constant 0 : i32
      %dma_start3A_53 = tpu.memref_slice %arg33[%mul3A_2, %dma_start3A_52] : memref<10240x64xf32, #tpu.memory_space<vmem_shared>> -> memref<625x64xf32, #tpu.memory_space<vmem_shared>>
      %dma_start3A_54 = arith.constant 0 : i32
      %dma_start3A_55 = tpu.memref_slice %arg5[%mul3A_2, %dma_start3A_54] : memref<10000x64xf32, #tpu.memory_space<hbm>> -> memref<625x64xf32, #tpu.memory_space<hbm>>
      tpu.enqueue_dma source(%dma_start3A_55 : memref<625x64xf32, #tpu.memory_space<hbm>>) target(%dma_start3A_53 : memref<625x64xf32, #tpu.memory_space<vmem_shared>>) target_semaphore(%run_scoped3A : memref<!tpu.dma_semaphore, #tpu.memory_space<semaphore_mem>>)
      %dma_wait3A = arith.constant 0 : i32
      %dma_wait3A_56 = tpu.memref_slice %arg33[%mul3A_2, %dma_wait3A] : memref<10240x64xf32, #tpu.memory_space<vmem_shared>> -> memref<625x64xf32, #tpu.memory_space<vmem_shared>>
      %dma_wait3A_57 = arith.constant 0 : i32
      %dma_wait3A_58 = tpu.memref_slice %arg5[%mul3A_2, %dma_wait3A_57] : memref<10000x64xf32, #tpu.memory_space<hbm>> -> memref<625x64xf32, #tpu.memory_space<hbm>>
      tpu.wait_dma2 semaphore(%run_scoped3A : memref<!tpu.dma_semaphore, #tpu.memory_space<semaphore_mem>>) src(%dma_wait3A_58 : memref<625x64xf32, #tpu.memory_space<hbm>>) dst(%dma_wait3A_56 : memref<625x64xf32, #tpu.memory_space<vmem_shared>>)
      tpu.yield
    }) : () -> ()
    %barrier3A = arith.constant 0 : index
    tpu.barrier barrier_id(%barrier3A)
    %dma_start3A = arith.constant 0 : i32
    %dma_start3A_7 = tpu.memref_slice %arg7[%dma_start3A] : memref<10240xi32, #tpu.memory_space<vmem>> -> memref<128xi32, #tpu.memory_space<vmem>>
    %dma_start3A_8 = arith.constant 0 : i32
    %dma_start3A_9 = arith.constant 0 : i32
    %dma_start3A_10 = tpu.memref_slice %arg2[%dma_start3A_8, %dma_start3A_9] : memref<10000x64xf32, #tpu.memory_space<hbm>> -> memref<10000x64xf32, #tpu.memory_space<hbm>>
    tpu.enqueue_indirect_dma source(%dma_start3A_10 : memref<10000x64xf32, #tpu.memory_space<hbm>>) target(%arg9 : memref<128x64xf32, #tpu.memory_space<vmem>>) offsets(%dma_start3A_7 : memref<128xi32, #tpu.memory_space<vmem>>) semaphore(%arg17 : memref<!tpu.dma_semaphore, #tpu.memory_space<semaphore_mem>>)
    %dma_start3A_11 = arith.constant 128 : i32
    %dma_start3A_12 = tpu.memref_slice %arg7[%dma_start3A_11] : memref<10240xi32, #tpu.memory_space<vmem>> -> memref<128xi32, #tpu.memory_space<vmem>>
    %dma_start3A_13 = arith.constant 0 : i32
    %dma_start3A_14 = arith.constant 0 : i32
    %dma_start3A_15 = tpu.memref_slice %arg2[%dma_start3A_13, %dma_start3A_14] : memref<10000x64xf32, #tpu.memory_space<hbm>> -> memref<10000x64xf32, #tpu.memory_space<hbm>>
    tpu.enqueue_indirect_dma source(%dma_start3A_15 : memref<10000x64xf32, #tpu.memory_space<hbm>>) target(%arg10 : memref<128x64xf32, #tpu.memory_space<vmem>>) offsets(%dma_start3A_12 : memref<128xi32, #tpu.memory_space<vmem>>) semaphore(%arg18 : memref<!tpu.dma_semaphore, #tpu.memory_space<semaphore_mem>>)
    %dma_start3A_16 = arith.constant 256 : i32
    %dma_start3A_17 = tpu.memref_slice %arg7[%dma_start3A_16] : memref<10240xi32, #tpu.memory_space<vmem>> -> memref<128xi32, #tpu.memory_space<vmem>>
    %dma_start3A_18 = arith.constant 0 : i32
    %dma_start3A_19 = arith.constant 0 : i32
    %dma_start3A_20 = tpu.memref_slice %arg2[%dma_start3A_18, %dma_start3A_19] : memref<10000x64xf32, #tpu.memory_space<hbm>> -> memref<10000x64xf32, #tpu.memory_space<hbm>>
    tpu.enqueue_indirect_dma source(%dma_start3A_20 : memref<10000x64xf32, #tpu.memory_space<hbm>>) target(%arg11 : memref<128x64xf32, #tpu.memory_space<vmem>>) offsets(%dma_start3A_17 : memref<128xi32, #tpu.memory_space<vmem>>) semaphore(%arg19 : memref<!tpu.dma_semaphore, #tpu.memory_space<semaphore_mem>>)
    %dma_start3A_21 = arith.constant 384 : i32
    %dma_start3A_22 = tpu.memref_slice %arg7[%dma_start3A_21] : memref<10240xi32, #tpu.memory_space<vmem>> -> memref<128xi32, #tpu.memory_space<vmem>>
    %dma_start3A_23 = arith.constant 0 : i32
    %dma_start3A_24 = arith.constant 0 : i32
    %dma_start3A_25 = tpu.memref_slice %arg2[%dma_start3A_23, %dma_start3A_24] : memref<10000x64xf32, #tpu.memory_space<hbm>> -> memref<10000x64xf32, #tpu.memory_space<hbm>>
    tpu.enqueue_indirect_dma source(%dma_start3A_25 : memref<10000x64xf32, #tpu.memory_space<hbm>>) target(%arg12 : memref<128x64xf32, #tpu.memory_space<vmem>>) offsets(%dma_start3A_22 : memref<128xi32, #tpu.memory_space<vmem>>) semaphore(%arg20 : memref<!tpu.dma_semaphore, #tpu.memory_space<semaphore_mem>>)
    %dma_start3A_26 = arith.constant 512 : i32
    %dma_start3A_27 = tpu.memref_slice %arg7[%dma_start3A_26] : memref<10240xi32, #tpu.memory_space<vmem>> -> memref<128xi32, #tpu.memory_space<vmem>>
    %dma_start3A_28 = arith.constant 0 : i32
    %dma_start3A_29 = arith.constant 0 : i32
    %dma_start3A_30 = tpu.memref_slice %arg2[%dma_start3A_28, %dma_start3A_29] : memref<10000x64xf32, #tpu.memory_space<hbm>> -> memref<10000x64xf32, #tpu.memory_space<hbm>>
    tpu.enqueue_indirect_dma source(%dma_start3A_30 : memref<10000x64xf32, #tpu.memory_space<hbm>>) target(%arg13 : memref<128x64xf32, #tpu.memory_space<vmem>>) offsets(%dma_start3A_27 : memref<128xi32, #tpu.memory_space<vmem>>) semaphore(%arg21 : memref<!tpu.dma_semaphore, #tpu.memory_space<semaphore_mem>>)
    %dma_start3A_31 = arith.constant 640 : i32
    %dma_start3A_32 = tpu.memref_slice %arg7[%dma_start3A_31] : memref<10240xi32, #tpu.memory_space<vmem>> -> memref<128xi32, #tpu.memory_space<vmem>>
    %dma_start3A_33 = arith.constant 0 : i32
    %dma_start3A_34 = arith.constant 0 : i32
    %dma_start3A_35 = tpu.memref_slice %arg2[%dma_start3A_33, %dma_start3A_34] : memref<10000x64xf32, #tpu.memory_space<hbm>> -> memref<10000x64xf32, #tpu.memory_space<hbm>>
    tpu.enqueue_indirect_dma source(%dma_start3A_35 : memref<10000x64xf32, #tpu.memory_space<hbm>>) target(%arg14 : memref<128x64xf32, #tpu.memory_space<vmem>>) offsets(%dma_start3A_32 : memref<128xi32, #tpu.memory_space<vmem>>) semaphore(%arg22 : memref<!tpu.dma_semaphore, #tpu.memory_space<semaphore_mem>>)
    %dma_start3A_36 = arith.constant 768 : i32
    %dma_start3A_37 = tpu.memref_slice %arg7[%dma_start3A_36] : memref<10240xi32, #tpu.memory_space<vmem>> -> memref<128xi32, #tpu.memory_space<vmem>>
    %dma_start3A_38 = arith.constant 0 : i32
    %dma_start3A_39 = arith.constant 0 : i32
    %dma_start3A_40 = tpu.memref_slice %arg2[%dma_start3A_38, %dma_start3A_39] : memref<10000x64xf32, #tpu.memory_space<hbm>> -> memref<10000x64xf32, #tpu.memory_space<hbm>>
    tpu.enqueue_indirect_dma source(%dma_start3A_40 : memref<10000x64xf32, #tpu.memory_space<hbm>>) target(%arg15 : memref<128x64xf32, #tpu.memory_space<vmem>>) offsets(%dma_start3A_37 : memref<128xi32, #tpu.memory_space<vmem>>) semaphore(%arg23 : memref<!tpu.dma_semaphore, #tpu.memory_space<semaphore_mem>>)
    %dma_start3A_41 = arith.constant 896 : i32
    %dma_start3A_42 = tpu.memref_slice %arg7[%dma_start3A_41] : memref<10240xi32, #tpu.memory_space<vmem>> -> memref<128xi32, #tpu.memory_space<vmem>>
    %dma_start3A_43 = arith.constant 0 : i32
    %dma_start3A_44 = arith.constant 0 : i32
    %dma_start3A_45 = tpu.memref_slice %arg2[%dma_start3A_43, %dma_start3A_44] : memref<10000x64xf32, #tpu.memory_space<hbm>> -> memref<10000x64xf32, #tpu.memory_space<hbm>>
    tpu.enqueue_indirect_dma source(%dma_start3A_45 : memref<10000x64xf32, #tpu.memory_space<hbm>>) target(%arg16 : memref<128x64xf32, #tpu.memory_space<vmem>>) offsets(%dma_start3A_42 : memref<128xi32, #tpu.memory_space<vmem>>) semaphore(%arg24 : memref<!tpu.dma_semaphore, #tpu.memory_space<semaphore_mem>>)
    %scan3A = arith.constant 0 : i32
    %scan3A_46 = arith.constant 0 : i32
    %scan3A_47 = arith.constant 10 : i32
    %scan3A_48 = arith.addi %scan3A_46, %scan3A_47 : i32
    %scan3A_49 = arith.constant 1 : i32
    scf.for %scan3A_52 = %scan3A_46 to %scan3A_48 step %scan3A_49  : i32 {
      %mul3A_53 = arith.constant 8 : i32
      %mul3A_54 = arith.muli %scan3A_52, %mul3A_53 : i32
      %add3A_55 = arith.constant 0 : i32
      %add3A_56 = arith.addi %mul3A_54, %add3A_55 : i32
      %mul3A_57 = arith.constant 128 : i32
      %mul3A_58 = arith.muli %add3A_56, %mul3A_57 : i32
      %dma_wait3A = tpu.memref_slice %arg7[%mul3A_58] : memref<10240xi32, #tpu.memory_space<vmem>> -> memref<128xi32, #tpu.memory_space<vmem>>
      %dma_wait3A_59 = arith.constant 0 : i32
      %dma_wait3A_60 = arith.constant 0 : i32
      %dma_wait3A_61 = tpu.memref_slice %arg2[%dma_wait3A_59, %dma_wait3A_60] : memref<10000x64xf32, #tpu.memory_space<hbm>> -> memref<10000x64xf32, #tpu.memory_space<hbm>>
      tpu.wait_indirect_dma semaphore(%arg17 : memref<!tpu.dma_semaphore, #tpu.memory_space<semaphore_mem>>) src(%dma_wait3A_61 : memref<10000x64xf32, #tpu.memory_space<hbm>>) dst(%arg9 : memref<128x64xf32, #tpu.memory_space<vmem>>)
      %add3A_62 = arith.constant 0 : i32
      %add3A_63 = arith.addi %mul3A_54, %add3A_62 : i32
      %mul3A_64 = arith.constant 128 : i32
      %mul3A_65 = arith.muli %add3A_63, %mul3A_64 : i32
      %dma_start3A_66 = tpu.memref_slice %arg8[%mul3A_65] : memref<10240xi32, #tpu.memory_space<vmem>> -> memref<128xi32, #tpu.memory_space<vmem>>
      %dma_start3A_67 = arith.constant 0 : i32
      %dma_start3A_68 = arith.constant 0 : i32
      %dma_start3A_69 = tpu.memref_slice %arg33[%dma_start3A_67, %dma_start3A_68] : memref<10240x64xf32, #tpu.memory_space<vmem_shared>> -> memref<10240x64xf32, #tpu.memory_space<vmem_shared>>
      tpu.enqueue_indirect_dma source(%arg9 : memref<128x64xf32, #tpu.memory_space<vmem>>) target(%dma_start3A_69 : memref<10240x64xf32, #tpu.memory_space<vmem_shared>>) offsets(%dma_start3A_66 : memref<128xi32, #tpu.memory_space<vmem>>) semaphore(%arg25 : memref<!tpu.dma_semaphore, #tpu.memory_space<semaphore_mem>>) {add = true}
      %add3A_70 = arith.constant 1 : i32
      %add3A_71 = arith.addi %mul3A_54, %add3A_70 : i32
      %mul3A_72 = arith.constant 128 : i32
      %mul3A_73 = arith.muli %add3A_71, %mul3A_72 : i32
      %dma_wait3A_74 = tpu.memref_slice %arg7[%mul3A_73] : memref<10240xi32, #tpu.memory_space<vmem>> -> memref<128xi32, #tpu.memory_space<vmem>>
      %dma_wait3A_75 = arith.constant 0 : i32
      %dma_wait3A_76 = arith.constant 0 : i32
      %dma_wait3A_77 = tpu.memref_slice %arg2[%dma_wait3A_75, %dma_wait3A_76] : memref<10000x64xf32, #tpu.memory_space<hbm>> -> memref<10000x64xf32, #tpu.memory_space<hbm>>
      tpu.wait_indirect_dma semaphore(%arg18 : memref<!tpu.dma_semaphore, #tpu.memory_space<semaphore_mem>>) src(%dma_wait3A_77 : memref<10000x64xf32, #tpu.memory_space<hbm>>) dst(%arg10 : memref<128x64xf32, #tpu.memory_space<vmem>>)
      %add3A_78 = arith.constant 1 : i32
      %add3A_79 = arith.addi %mul3A_54, %add3A_78 : i32
      %mul3A_80 = arith.constant 128 : i32
      %mul3A_81 = arith.muli %add3A_79, %mul3A_80 : i32
      %dma_start3A_82 = tpu.memref_slice %arg8[%mul3A_81] : memref<10240xi32, #tpu.memory_space<vmem>> -> memref<128xi32, #tpu.memory_space<vmem>>
      %dma_start3A_83 = arith.constant 0 : i32
      %dma_start3A_84 = arith.constant 0 : i32
      %dma_start3A_85 = tpu.memref_slice %arg33[%dma_start3A_83, %dma_start3A_84] : memref<10240x64xf32, #tpu.memory_space<vmem_shared>> -> memref<10240x64xf32, #tpu.memory_space<vmem_shared>>
      tpu.enqueue_indirect_dma source(%arg10 : memref<128x64xf32, #tpu.memory_space<vmem>>) target(%dma_start3A_85 : memref<10240x64xf32, #tpu.memory_space<vmem_shared>>) offsets(%dma_start3A_82 : memref<128xi32, #tpu.memory_space<vmem>>) semaphore(%arg26 : memref<!tpu.dma_semaphore, #tpu.memory_space<semaphore_mem>>) {add = true}
      %add3A_86 = arith.constant 2 : i32
      %add3A_87 = arith.addi %mul3A_54, %add3A_86 : i32
      %mul3A_88 = arith.constant 128 : i32
      %mul3A_89 = arith.muli %add3A_87, %mul3A_88 : i32
      %dma_wait3A_90 = tpu.memref_slice %arg7[%mul3A_89] : memref<10240xi32, #tpu.memory_space<vmem>> -> memref<128xi32, #tpu.memory_space<vmem>>
      %dma_wait3A_91 = arith.constant 0 : i32
      %dma_wait3A_92 = arith.constant 0 : i32
      %dma_wait3A_93 = tpu.memref_slice %arg2[%dma_wait3A_91, %dma_wait3A_92] : memref<10000x64xf32, #tpu.memory_space<hbm>> -> memref<10000x64xf32, #tpu.memory_space<hbm>>
      tpu.wait_indirect_dma semaphore(%arg19 : memref<!tpu.dma_semaphore, #tpu.memory_space<semaphore_mem>>) src(%dma_wait3A_93 : memref<10000x64xf32, #tpu.memory_space<hbm>>) dst(%arg11 : memref<128x64xf32, #tpu.memory_space<vmem>>)
      %add3A_94 = arith.constant 2 : i32
      %add3A_95 = arith.addi %mul3A_54, %add3A_94 : i32
      %mul3A_96 = arith.constant 128 : i32
      %mul3A_97 = arith.muli %add3A_95, %mul3A_96 : i32
      %dma_start3A_98 = tpu.memref_slice %arg8[%mul3A_97] : memref<10240xi32, #tpu.memory_space<vmem>> -> memref<128xi32, #tpu.memory_space<vmem>>
      %dma_start3A_99 = arith.constant 0 : i32
      %dma_start3A_100 = arith.constant 0 : i32
      %dma_start3A_101 = tpu.memref_slice %arg33[%dma_start3A_99, %dma_start3A_100] : memref<10240x64xf32, #tpu.memory_space<vmem_shared>> -> memref<10240x64xf32, #tpu.memory_space<vmem_shared>>
      tpu.enqueue_indirect_dma source(%arg11 : memref<128x64xf32, #tpu.memory_space<vmem>>) target(%dma_start3A_101 : memref<10240x64xf32, #tpu.memory_space<vmem_shared>>) offsets(%dma_start3A_98 : memref<128xi32, #tpu.memory_space<vmem>>) semaphore(%arg27 : memref<!tpu.dma_semaphore, #tpu.memory_space<semaphore_mem>>) {add = true}
      %add3A_102 = arith.constant 3 : i32
      %add3A_103 = arith.addi %mul3A_54, %add3A_102 : i32
      %mul3A_104 = arith.constant 128 : i32
      %mul3A_105 = arith.muli %add3A_103, %mul3A_104 : i32
      %dma_wait3A_106 = tpu.memref_slice %arg7[%mul3A_105] : memref<10240xi32, #tpu.memory_space<vmem>> -> memref<128xi32, #tpu.memory_space<vmem>>
      %dma_wait3A_107 = arith.constant 0 : i32
      %dma_wait3A_108 = arith.constant 0 : i32
      %dma_wait3A_109 = tpu.memref_slice %arg2[%dma_wait3A_107, %dma_wait3A_108] : memref<10000x64xf32, #tpu.memory_space<hbm>> -> memref<10000x64xf32, #tpu.memory_space<hbm>>
      tpu.wait_indirect_dma semaphore(%arg20 : memref<!tpu.dma_semaphore, #tpu.memory_space<semaphore_mem>>) src(%dma_wait3A_109 : memref<10000x64xf32, #tpu.memory_space<hbm>>) dst(%arg12 : memref<128x64xf32, #tpu.memory_space<vmem>>)
      %add3A_110 = arith.constant 3 : i32
      %add3A_111 = arith.addi %mul3A_54, %add3A_110 : i32
      %mul3A_112 = arith.constant 128 : i32
      %mul3A_113 = arith.muli %add3A_111, %mul3A_112 : i32
      %dma_start3A_114 = tpu.memref_slice %arg8[%mul3A_113] : memref<10240xi32, #tpu.memory_space<vmem>> -> memref<128xi32, #tpu.memory_space<vmem>>
      %dma_start3A_115 = arith.constant 0 : i32
      %dma_start3A_116 = arith.constant 0 : i32
      %dma_start3A_117 = tpu.memref_slice %arg33[%dma_start3A_115, %dma_start3A_116] : memref<10240x64xf32, #tpu.memory_space<vmem_shared>> -> memref<10240x64xf32, #tpu.memory_space<vmem_shared>>
      tpu.enqueue_indirect_dma source(%arg12 : memref<128x64xf32, #tpu.memory_space<vmem>>) target(%dma_start3A_117 : memref<10240x64xf32, #tpu.memory_space<vmem_shared>>) offsets(%dma_start3A_114 : memref<128xi32, #tpu.memory_space<vmem>>) semaphore(%arg28 : memref<!tpu.dma_semaphore, #tpu.memory_space<semaphore_mem>>) {add = true}
      %add3A_118 = arith.constant 4 : i32
      %add3A_119 = arith.addi %mul3A_54, %add3A_118 : i32
      %mul3A_120 = arith.constant 128 : i32
      %mul3A_121 = arith.muli %add3A_119, %mul3A_120 : i32
      %dma_wait3A_122 = tpu.memref_slice %arg7[%mul3A_121] : memref<10240xi32, #tpu.memory_space<vmem>> -> memref<128xi32, #tpu.memory_space<vmem>>
      %dma_wait3A_123 = arith.constant 0 : i32
      %dma_wait3A_124 = arith.constant 0 : i32
      %dma_wait3A_125 = tpu.memref_slice %arg2[%dma_wait3A_123, %dma_wait3A_124] : memref<10000x64xf32, #tpu.memory_space<hbm>> -> memref<10000x64xf32, #tpu.memory_space<hbm>>
      tpu.wait_indirect_dma semaphore(%arg21 : memref<!tpu.dma_semaphore, #tpu.memory_space<semaphore_mem>>) src(%dma_wait3A_125 : memref<10000x64xf32, #tpu.memory_space<hbm>>) dst(%arg13 : memref<128x64xf32, #tpu.memory_space<vmem>>)
      %add3A_126 = arith.constant 4 : i32
      %add3A_127 = arith.addi %mul3A_54, %add3A_126 : i32
      %mul3A_128 = arith.constant 128 : i32
      %mul3A_129 = arith.muli %add3A_127, %mul3A_128 : i32
      %dma_start3A_130 = tpu.memref_slice %arg8[%mul3A_129] : memref<10240xi32, #tpu.memory_space<vmem>> -> memref<128xi32, #tpu.memory_space<vmem>>
      %dma_start3A_131 = arith.constant 0 : i32
      %dma_start3A_132 = arith.constant 0 : i32
      %dma_start3A_133 = tpu.memref_slice %arg33[%dma_start3A_131, %dma_start3A_132] : memref<10240x64xf32, #tpu.memory_space<vmem_shared>> -> memref<10240x64xf32, #tpu.memory_space<vmem_shared>>
      tpu.enqueue_indirect_dma source(%arg13 : memref<128x64xf32, #tpu.memory_space<vmem>>) target(%dma_start3A_133 : memref<10240x64xf32, #tpu.memory_space<vmem_shared>>) offsets(%dma_start3A_130 : memref<128xi32, #tpu.memory_space<vmem>>) semaphore(%arg29 : memref<!tpu.dma_semaphore, #tpu.memory_space<semaphore_mem>>) {add = true}
      %add3A_134 = arith.constant 5 : i32
      %add3A_135 = arith.addi %mul3A_54, %add3A_134 : i32
      %mul3A_136 = arith.constant 128 : i32
      %mul3A_137 = arith.muli %add3A_135, %mul3A_136 : i32
      %dma_wait3A_138 = tpu.memref_slice %arg7[%mul3A_137] : memref<10240xi32, #tpu.memory_space<vmem>> -> memref<128xi32, #tpu.memory_space<vmem>>
      %dma_wait3A_139 = arith.constant 0 : i32
      %dma_wait3A_140 = arith.constant 0 : i32
      %dma_wait3A_141 = tpu.memref_slice %arg2[%dma_wait3A_139, %dma_wait3A_140] : memref<10000x64xf32, #tpu.memory_space<hbm>> -> memref<10000x64xf32, #tpu.memory_space<hbm>>
      tpu.wait_indirect_dma semaphore(%arg22 : memref<!tpu.dma_semaphore, #tpu.memory_space<semaphore_mem>>) src(%dma_wait3A_141 : memref<10000x64xf32, #tpu.memory_space<hbm>>) dst(%arg14 : memref<128x64xf32, #tpu.memory_space<vmem>>)
      %add3A_142 = arith.constant 5 : i32
      %add3A_143 = arith.addi %mul3A_54, %add3A_142 : i32
      %mul3A_144 = arith.constant 128 : i32
      %mul3A_145 = arith.muli %add3A_143, %mul3A_144 : i32
      %dma_start3A_146 = tpu.memref_slice %arg8[%mul3A_145] : memref<10240xi32, #tpu.memory_space<vmem>> -> memref<128xi32, #tpu.memory_space<vmem>>
      %dma_start3A_147 = arith.constant 0 : i32
      %dma_start3A_148 = arith.constant 0 : i32
      %dma_start3A_149 = tpu.memref_slice %arg33[%dma_start3A_147, %dma_start3A_148] : memref<10240x64xf32, #tpu.memory_space<vmem_shared>> -> memref<10240x64xf32, #tpu.memory_space<vmem_shared>>
      tpu.enqueue_indirect_dma source(%arg14 : memref<128x64xf32, #tpu.memory_space<vmem>>) target(%dma_start3A_149 : memref<10240x64xf32, #tpu.memory_space<vmem_shared>>) offsets(%dma_start3A_146 : memref<128xi32, #tpu.memory_space<vmem>>) semaphore(%arg30 : memref<!tpu.dma_semaphore, #tpu.memory_space<semaphore_mem>>) {add = true}
      %add3A_150 = arith.constant 6 : i32
      %add3A_151 = arith.addi %mul3A_54, %add3A_150 : i32
      %mul3A_152 = arith.constant 128 : i32
      %mul3A_153 = arith.muli %add3A_151, %mul3A_152 : i32
      %dma_wait3A_154 = tpu.memref_slice %arg7[%mul3A_153] : memref<10240xi32, #tpu.memory_space<vmem>> -> memref<128xi32, #tpu.memory_space<vmem>>
      %dma_wait3A_155 = arith.constant 0 : i32
      %dma_wait3A_156 = arith.constant 0 : i32
      %dma_wait3A_157 = tpu.memref_slice %arg2[%dma_wait3A_155, %dma_wait3A_156] : memref<10000x64xf32, #tpu.memory_space<hbm>> -> memref<10000x64xf32, #tpu.memory_space<hbm>>
      tpu.wait_indirect_dma semaphore(%arg23 : memref<!tpu.dma_semaphore, #tpu.memory_space<semaphore_mem>>) src(%dma_wait3A_157 : memref<10000x64xf32, #tpu.memory_space<hbm>>) dst(%arg15 : memref<128x64xf32, #tpu.memory_space<vmem>>)
      %add3A_158 = arith.constant 6 : i32
      %add3A_159 = arith.addi %mul3A_54, %add3A_158 : i32
      %mul3A_160 = arith.constant 128 : i32
      %mul3A_161 = arith.muli %add3A_159, %mul3A_160 : i32
      %dma_start3A_162 = tpu.memref_slice %arg8[%mul3A_161] : memref<10240xi32, #tpu.memory_space<vmem>> -> memref<128xi32, #tpu.memory_space<vmem>>
      %dma_start3A_163 = arith.constant 0 : i32
      %dma_start3A_164 = arith.constant 0 : i32
      %dma_start3A_165 = tpu.memref_slice %arg33[%dma_start3A_163, %dma_start3A_164] : memref<10240x64xf32, #tpu.memory_space<vmem_shared>> -> memref<10240x64xf32, #tpu.memory_space<vmem_shared>>
      tpu.enqueue_indirect_dma source(%arg15 : memref<128x64xf32, #tpu.memory_space<vmem>>) target(%dma_start3A_165 : memref<10240x64xf32, #tpu.memory_space<vmem_shared>>) offsets(%dma_start3A_162 : memref<128xi32, #tpu.memory_space<vmem>>) semaphore(%arg31 : memref<!tpu.dma_semaphore, #tpu.memory_space<semaphore_mem>>) {add = true}
      %add3A_166 = arith.constant 7 : i32
      %add3A_167 = arith.addi %mul3A_54, %add3A_166 : i32
      %mul3A_168 = arith.constant 128 : i32
      %mul3A_169 = arith.muli %add3A_167, %mul3A_168 : i32
      %dma_wait3A_170 = tpu.memref_slice %arg7[%mul3A_169] : memref<10240xi32, #tpu.memory_space<vmem>> -> memref<128xi32, #tpu.memory_space<vmem>>
      %dma_wait3A_171 = arith.constant 0 : i32
      %dma_wait3A_172 = arith.constant 0 : i32
      %dma_wait3A_173 = tpu.memref_slice %arg2[%dma_wait3A_171, %dma_wait3A_172] : memref<10000x64xf32, #tpu.memory_space<hbm>> -> memref<10000x64xf32, #tpu.memory_space<hbm>>
      tpu.wait_indirect_dma semaphore(%arg24 : memref<!tpu.dma_semaphore, #tpu.memory_space<semaphore_mem>>) src(%dma_wait3A_173 : memref<10000x64xf32, #tpu.memory_space<hbm>>) dst(%arg16 : memref<128x64xf32, #tpu.memory_space<vmem>>)
      %add3A_174 = arith.constant 7 : i32
      %add3A_175 = arith.addi %mul3A_54, %add3A_174 : i32
      %mul3A_176 = arith.constant 128 : i32
      %mul3A_177 = arith.muli %add3A_175, %mul3A_176 : i32
      %dma_start3A_178 = tpu.memref_slice %arg8[%mul3A_177] : memref<10240xi32, #tpu.memory_space<vmem>> -> memref<128xi32, #tpu.memory_space<vmem>>
      %dma_start3A_179 = arith.constant 0 : i32
      %dma_start3A_180 = arith.constant 0 : i32
      %dma_start3A_181 = tpu.memref_slice %arg33[%dma_start3A_179, %dma_start3A_180] : memref<10240x64xf32, #tpu.memory_space<vmem_shared>> -> memref<10240x64xf32, #tpu.memory_space<vmem_shared>>
      tpu.enqueue_indirect_dma source(%arg16 : memref<128x64xf32, #tpu.memory_space<vmem>>) target(%dma_start3A_181 : memref<10240x64xf32, #tpu.memory_space<vmem_shared>>) offsets(%dma_start3A_178 : memref<128xi32, #tpu.memory_space<vmem>>) semaphore(%arg32 : memref<!tpu.dma_semaphore, #tpu.memory_space<semaphore_mem>>) {add = true}
      %add3A_182 = arith.constant 8 : i32
      %add3A_183 = arith.addi %mul3A_54, %add3A_182 : i32
      %add3A_184 = arith.constant 0 : i32
      %add3A_185 = arith.addi %add3A_183, %add3A_184 : i32
      %min3A = arith.constant 79 : i32
      %min3A_186 = arith.minsi %add3A_185, %min3A : i32
      %mul3A_187 = arith.constant 128 : i32
      %mul3A_188 = arith.muli %min3A_186, %mul3A_187 : i32
      %dma_wait3A_189 = tpu.memref_slice %arg8[%mul3A_188] : memref<10240xi32, #tpu.memory_space<vmem>> -> memref<128xi32, #tpu.memory_space<vmem>>
      %dma_wait3A_190 = arith.constant 0 : i32
      %dma_wait3A_191 = arith.constant 0 : i32
      %dma_wait3A_192 = tpu.memref_slice %arg33[%dma_wait3A_190, %dma_wait3A_191] : memref<10240x64xf32, #tpu.memory_space<vmem_shared>> -> memref<10240x64xf32, #tpu.memory_space<vmem_shared>>
      tpu.wait_indirect_dma semaphore(%arg25 : memref<!tpu.dma_semaphore, #tpu.memory_space<semaphore_mem>>) src(%arg9 : memref<128x64xf32, #tpu.memory_space<vmem>>) dst(%dma_wait3A_192 : memref<10240x64xf32, #tpu.memory_space<vmem_shared>>)
      %lt3A = arith.constant 9 : i32
      %lt3A_193 = arith.cmpi slt, %scan3A_52, %lt3A : i32
      %convert_element_type3A = arith.extui %lt3A_193 : i1 to i32
      %cond3A = arith.constant 0 : i32
      %cond3A_194 = arith.cmpi ne, %convert_element_type3A, %cond3A : i32
      scf.if %cond3A_194 {
        %mul3A_314 = arith.constant 128 : i32
        %mul3A_315 = arith.muli %min3A_186, %mul3A_314 : i32
        %dma_start3A_316 = tpu.memref_slice %arg7[%mul3A_315] : memref<10240xi32, #tpu.memory_space<vmem>> -> memref<128xi32, #tpu.memory_space<vmem>>
        %dma_start3A_317 = arith.constant 0 : i32
        %dma_start3A_318 = arith.constant 0 : i32
        %dma_start3A_319 = tpu.memref_slice %arg2[%dma_start3A_317, %dma_start3A_318] : memref<10000x64xf32, #tpu.memory_space<hbm>> -> memref<10000x64xf32, #tpu.memory_space<hbm>>
        tpu.enqueue_indirect_dma source(%dma_start3A_319 : memref<10000x64xf32, #tpu.memory_space<hbm>>) target(%arg9 : memref<128x64xf32, #tpu.memory_space<vmem>>) offsets(%dma_start3A_316 : memref<128xi32, #tpu.memory_space<vmem>>) semaphore(%arg17 : memref<!tpu.dma_semaphore, #tpu.memory_space<semaphore_mem>>)
      } else {
      }
      %add3A_195 = arith.constant 8 : i32
      %add3A_196 = arith.addi %mul3A_54, %add3A_195 : i32
      %add3A_197 = arith.constant 1 : i32
      %add3A_198 = arith.addi %add3A_196, %add3A_197 : i32
      %min3A_199 = arith.constant 79 : i32
      %min3A_200 = arith.minsi %add3A_198, %min3A_199 : i32
      %mul3A_201 = arith.constant 128 : i32
      %mul3A_202 = arith.muli %min3A_200, %mul3A_201 : i32
      %dma_wait3A_203 = tpu.memref_slice %arg8[%mul3A_202] : memref<10240xi32, #tpu.memory_space<vmem>> -> memref<128xi32, #tpu.memory_space<vmem>>
      %dma_wait3A_204 = arith.constant 0 : i32
      %dma_wait3A_205 = arith.constant 0 : i32
      %dma_wait3A_206 = tpu.memref_slice %arg33[%dma_wait3A_204, %dma_wait3A_205] : memref<10240x64xf32, #tpu.memory_space<vmem_shared>> -> memref<10240x64xf32, #tpu.memory_space<vmem_shared>>
      tpu.wait_indirect_dma semaphore(%arg26 : memref<!tpu.dma_semaphore, #tpu.memory_space<semaphore_mem>>) src(%arg10 : memref<128x64xf32, #tpu.memory_space<vmem>>) dst(%dma_wait3A_206 : memref<10240x64xf32, #tpu.memory_space<vmem_shared>>)
      %lt3A_207 = arith.constant 9 : i32
      %lt3A_208 = arith.cmpi slt, %scan3A_52, %lt3A_207 : i32
      %convert_element_type3A_209 = arith.extui %lt3A_208 : i1 to i32
      %cond3A_210 = arith.constant 0 : i32
      %cond3A_211 = arith.cmpi ne, %convert_element_type3A_209, %cond3A_210 : i32
      scf.if %cond3A_211 {
        %mul3A_314 = arith.constant 128 : i32
        %mul3A_315 = arith.muli %min3A_200, %mul3A_314 : i32
        %dma_start3A_316 = tpu.memref_slice %arg7[%mul3A_315] : memref<10240xi32, #tpu.memory_space<vmem>> -> memref<128xi32, #tpu.memory_space<vmem>>
        %dma_start3A_317 = arith.constant 0 : i32
        %dma_start3A_318 = arith.constant 0 : i32
        %dma_start3A_319 = tpu.memref_slice %arg2[%dma_start3A_317, %dma_start3A_318] : memref<10000x64xf32, #tpu.memory_space<hbm>> -> memref<10000x64xf32, #tpu.memory_space<hbm>>
        tpu.enqueue_indirect_dma source(%dma_start3A_319 : memref<10000x64xf32, #tpu.memory_space<hbm>>) target(%arg10 : memref<128x64xf32, #tpu.memory_space<vmem>>) offsets(%dma_start3A_316 : memref<128xi32, #tpu.memory_space<vmem>>) semaphore(%arg18 : memref<!tpu.dma_semaphore, #tpu.memory_space<semaphore_mem>>)
      } else {
      }
      %add3A_212 = arith.constant 8 : i32
      %add3A_213 = arith.addi %mul3A_54, %add3A_212 : i32
      %add3A_214 = arith.constant 2 : i32
      %add3A_215 = arith.addi %add3A_213, %add3A_214 : i32
      %min3A_216 = arith.constant 79 : i32
      %min3A_217 = arith.minsi %add3A_215, %min3A_216 : i32
      %mul3A_218 = arith.constant 128 : i32
      %mul3A_219 = arith.muli %min3A_217, %mul3A_218 : i32
      %dma_wait3A_220 = tpu.memref_slice %arg8[%mul3A_219] : memref<10240xi32, #tpu.memory_space<vmem>> -> memref<128xi32, #tpu.memory_space<vmem>>
      %dma_wait3A_221 = arith.constant 0 : i32
      %dma_wait3A_222 = arith.constant 0 : i32
      %dma_wait3A_223 = tpu.memref_slice %arg33[%dma_wait3A_221, %dma_wait3A_222] : memref<10240x64xf32, #tpu.memory_space<vmem_shared>> -> memref<10240x64xf32, #tpu.memory_space<vmem_shared>>
      tpu.wait_indirect_dma semaphore(%arg27 : memref<!tpu.dma_semaphore, #tpu.memory_space<semaphore_mem>>) src(%arg11 : memref<128x64xf32, #tpu.memory_space<vmem>>) dst(%dma_wait3A_223 : memref<10240x64xf32, #tpu.memory_space<vmem_shared>>)
      %lt3A_224 = arith.constant 9 : i32
      %lt3A_225 = arith.cmpi slt, %scan3A_52, %lt3A_224 : i32
      %convert_element_type3A_226 = arith.extui %lt3A_225 : i1 to i32
      %cond3A_227 = arith.constant 0 : i32
      %cond3A_228 = arith.cmpi ne, %convert_element_type3A_226, %cond3A_227 : i32
      scf.if %cond3A_228 {
        %mul3A_314 = arith.constant 128 : i32
        %mul3A_315 = arith.muli %min3A_217, %mul3A_314 : i32
        %dma_start3A_316 = tpu.memref_slice %arg7[%mul3A_315] : memref<10240xi32, #tpu.memory_space<vmem>> -> memref<128xi32, #tpu.memory_space<vmem>>
        %dma_start3A_317 = arith.constant 0 : i32
        %dma_start3A_318 = arith.constant 0 : i32
        %dma_start3A_319 = tpu.memref_slice %arg2[%dma_start3A_317, %dma_start3A_318] : memref<10000x64xf32, #tpu.memory_space<hbm>> -> memref<10000x64xf32, #tpu.memory_space<hbm>>
        tpu.enqueue_indirect_dma source(%dma_start3A_319 : memref<10000x64xf32, #tpu.memory_space<hbm>>) target(%arg11 : memref<128x64xf32, #tpu.memory_space<vmem>>) offsets(%dma_start3A_316 : memref<128xi32, #tpu.memory_space<vmem>>) semaphore(%arg19 : memref<!tpu.dma_semaphore, #tpu.memory_space<semaphore_mem>>)
      } else {
      }
      %add3A_229 = arith.constant 8 : i32
      %add3A_230 = arith.addi %mul3A_54, %add3A_229 : i32
      %add3A_231 = arith.constant 3 : i32
      %add3A_232 = arith.addi %add3A_230, %add3A_231 : i32
      %min3A_233 = arith.constant 79 : i32
      %min3A_234 = arith.minsi %add3A_232, %min3A_233 : i32
      %mul3A_235 = arith.constant 128 : i32
      %mul3A_236 = arith.muli %min3A_234, %mul3A_235 : i32
      %dma_wait3A_237 = tpu.memref_slice %arg8[%mul3A_236] : memref<10240xi32, #tpu.memory_space<vmem>> -> memref<128xi32, #tpu.memory_space<vmem>>
      %dma_wait3A_238 = arith.constant 0 : i32
      %dma_wait3A_239 = arith.constant 0 : i32
      %dma_wait3A_240 = tpu.memref_slice %arg33[%dma_wait3A_238, %dma_wait3A_239] : memref<10240x64xf32, #tpu.memory_space<vmem_shared>> -> memref<10240x64xf32, #tpu.memory_space<vmem_shared>>
      tpu.wait_indirect_dma semaphore(%arg28 : memref<!tpu.dma_semaphore, #tpu.memory_space<semaphore_mem>>) src(%arg12 : memref<128x64xf32, #tpu.memory_space<vmem>>) dst(%dma_wait3A_240 : memref<10240x64xf32, #tpu.memory_space<vmem_shared>>)
      %lt3A_241 = arith.constant 9 : i32
      %lt3A_242 = arith.cmpi slt, %scan3A_52, %lt3A_241 : i32
      %convert_element_type3A_243 = arith.extui %lt3A_242 : i1 to i32
      %cond3A_244 = arith.constant 0 : i32
      %cond3A_245 = arith.cmpi ne, %convert_element_type3A_243, %cond3A_244 : i32
      scf.if %cond3A_245 {
        %mul3A_314 = arith.constant 128 : i32
        %mul3A_315 = arith.muli %min3A_234, %mul3A_314 : i32
        %dma_start3A_316 = tpu.memref_slice %arg7[%mul3A_315] : memref<10240xi32, #tpu.memory_space<vmem>> -> memref<128xi32, #tpu.memory_space<vmem>>
        %dma_start3A_317 = arith.constant 0 : i32
        %dma_start3A_318 = arith.constant 0 : i32
        %dma_start3A_319 = tpu.memref_slice %arg2[%dma_start3A_317, %dma_start3A_318] : memref<10000x64xf32, #tpu.memory_space<hbm>> -> memref<10000x64xf32, #tpu.memory_space<hbm>>
        tpu.enqueue_indirect_dma source(%dma_start3A_319 : memref<10000x64xf32, #tpu.memory_space<hbm>>) target(%arg12 : memref<128x64xf32, #tpu.memory_space<vmem>>) offsets(%dma_start3A_316 : memref<128xi32, #tpu.memory_space<vmem>>) semaphore(%arg20 : memref<!tpu.dma_semaphore, #tpu.memory_space<semaphore_mem>>)
      } else {
      }
      %add3A_246 = arith.constant 8 : i32
      %add3A_247 = arith.addi %mul3A_54, %add3A_246 : i32
      %add3A_248 = arith.constant 4 : i32
      %add3A_249 = arith.addi %add3A_247, %add3A_248 : i32
      %min3A_250 = arith.constant 79 : i32
      %min3A_251 = arith.minsi %add3A_249, %min3A_250 : i32
      %mul3A_252 = arith.constant 128 : i32
      %mul3A_253 = arith.muli %min3A_251, %mul3A_252 : i32
      %dma_wait3A_254 = tpu.memref_slice %arg8[%mul3A_253] : memref<10240xi32, #tpu.memory_space<vmem>> -> memref<128xi32, #tpu.memory_space<vmem>>
      %dma_wait3A_255 = arith.constant 0 : i32
      %dma_wait3A_256 = arith.constant 0 : i32
      %dma_wait3A_257 = tpu.memref_slice %arg33[%dma_wait3A_255, %dma_wait3A_256] : memref<10240x64xf32, #tpu.memory_space<vmem_shared>> -> memref<10240x64xf32, #tpu.memory_space<vmem_shared>>
      tpu.wait_indirect_dma semaphore(%arg29 : memref<!tpu.dma_semaphore, #tpu.memory_space<semaphore_mem>>) src(%arg13 : memref<128x64xf32, #tpu.memory_space<vmem>>) dst(%dma_wait3A_257 : memref<10240x64xf32, #tpu.memory_space<vmem_shared>>)
      %lt3A_258 = arith.constant 9 : i32
      %lt3A_259 = arith.cmpi slt, %scan3A_52, %lt3A_258 : i32
      %convert_element_type3A_260 = arith.extui %lt3A_259 : i1 to i32
      %cond3A_261 = arith.constant 0 : i32
      %cond3A_262 = arith.cmpi ne, %convert_element_type3A_260, %cond3A_261 : i32
      scf.if %cond3A_262 {
        %mul3A_314 = arith.constant 128 : i32
        %mul3A_315 = arith.muli %min3A_251, %mul3A_314 : i32
        %dma_start3A_316 = tpu.memref_slice %arg7[%mul3A_315] : memref<10240xi32, #tpu.memory_space<vmem>> -> memref<128xi32, #tpu.memory_space<vmem>>
        %dma_start3A_317 = arith.constant 0 : i32
        %dma_start3A_318 = arith.constant 0 : i32
        %dma_start3A_319 = tpu.memref_slice %arg2[%dma_start3A_317, %dma_start3A_318] : memref<10000x64xf32, #tpu.memory_space<hbm>> -> memref<10000x64xf32, #tpu.memory_space<hbm>>
        tpu.enqueue_indirect_dma source(%dma_start3A_319 : memref<10000x64xf32, #tpu.memory_space<hbm>>) target(%arg13 : memref<128x64xf32, #tpu.memory_space<vmem>>) offsets(%dma_start3A_316 : memref<128xi32, #tpu.memory_space<vmem>>) semaphore(%arg21 : memref<!tpu.dma_semaphore, #tpu.memory_space<semaphore_mem>>)
      } else {
      }
      %add3A_263 = arith.constant 8 : i32
      %add3A_264 = arith.addi %mul3A_54, %add3A_263 : i32
      %add3A_265 = arith.constant 5 : i32
      %add3A_266 = arith.addi %add3A_264, %add3A_265 : i32
      %min3A_267 = arith.constant 79 : i32
      %min3A_268 = arith.minsi %add3A_266, %min3A_267 : i32
      %mul3A_269 = arith.constant 128 : i32
      %mul3A_270 = arith.muli %min3A_268, %mul3A_269 : i32
      %dma_wait3A_271 = tpu.memref_slice %arg8[%mul3A_270] : memref<10240xi32, #tpu.memory_space<vmem>> -> memref<128xi32, #tpu.memory_space<vmem>>
      %dma_wait3A_272 = arith.constant 0 : i32
      %dma_wait3A_273 = arith.constant 0 : i32
      %dma_wait3A_274 = tpu.memref_slice %arg33[%dma_wait3A_272, %dma_wait3A_273] : memref<10240x64xf32, #tpu.memory_space<vmem_shared>> -> memref<10240x64xf32, #tpu.memory_space<vmem_shared>>
      tpu.wait_indirect_dma semaphore(%arg30 : memref<!tpu.dma_semaphore, #tpu.memory_space<semaphore_mem>>) src(%arg14 : memref<128x64xf32, #tpu.memory_space<vmem>>) dst(%dma_wait3A_274 : memref<10240x64xf32, #tpu.memory_space<vmem_shared>>)
      %lt3A_275 = arith.constant 9 : i32
      %lt3A_276 = arith.cmpi slt, %scan3A_52, %lt3A_275 : i32
      %convert_element_type3A_277 = arith.extui %lt3A_276 : i1 to i32
      %cond3A_278 = arith.constant 0 : i32
      %cond3A_279 = arith.cmpi ne, %convert_element_type3A_277, %cond3A_278 : i32
      scf.if %cond3A_279 {
        %mul3A_314 = arith.constant 128 : i32
        %mul3A_315 = arith.muli %min3A_268, %mul3A_314 : i32
        %dma_start3A_316 = tpu.memref_slice %arg7[%mul3A_315] : memref<10240xi32, #tpu.memory_space<vmem>> -> memref<128xi32, #tpu.memory_space<vmem>>
        %dma_start3A_317 = arith.constant 0 : i32
        %dma_start3A_318 = arith.constant 0 : i32
        %dma_start3A_319 = tpu.memref_slice %arg2[%dma_start3A_317, %dma_start3A_318] : memref<10000x64xf32, #tpu.memory_space<hbm>> -> memref<10000x64xf32, #tpu.memory_space<hbm>>
        tpu.enqueue_indirect_dma source(%dma_start3A_319 : memref<10000x64xf32, #tpu.memory_space<hbm>>) target(%arg14 : memref<128x64xf32, #tpu.memory_space<vmem>>) offsets(%dma_start3A_316 : memref<128xi32, #tpu.memory_space<vmem>>) semaphore(%arg22 : memref<!tpu.dma_semaphore, #tpu.memory_space<semaphore_mem>>)
      } else {
      }
      %add3A_280 = arith.constant 8 : i32
      %add3A_281 = arith.addi %mul3A_54, %add3A_280 : i32
      %add3A_282 = arith.constant 6 : i32
      %add3A_283 = arith.addi %add3A_281, %add3A_282 : i32
      %min3A_284 = arith.constant 79 : i32
      %min3A_285 = arith.minsi %add3A_283, %min3A_284 : i32
      %mul3A_286 = arith.constant 128 : i32
      %mul3A_287 = arith.muli %min3A_285, %mul3A_286 : i32
      %dma_wait3A_288 = tpu.memref_slice %arg8[%mul3A_287] : memref<10240xi32, #tpu.memory_space<vmem>> -> memref<128xi32, #tpu.memory_space<vmem>>
      %dma_wait3A_289 = arith.constant 0 : i32
      %dma_wait3A_290 = arith.constant 0 : i32
      %dma_wait3A_291 = tpu.memref_slice %arg33[%dma_wait3A_289, %dma_wait3A_290] : memref<10240x64xf32, #tpu.memory_space<vmem_shared>> -> memref<10240x64xf32, #tpu.memory_space<vmem_shared>>
      tpu.wait_indirect_dma semaphore(%arg31 : memref<!tpu.dma_semaphore, #tpu.memory_space<semaphore_mem>>) src(%arg15 : memref<128x64xf32, #tpu.memory_space<vmem>>) dst(%dma_wait3A_291 : memref<10240x64xf32, #tpu.memory_space<vmem_shared>>)
      %lt3A_292 = arith.constant 9 : i32
      %lt3A_293 = arith.cmpi slt, %scan3A_52, %lt3A_292 : i32
      %convert_element_type3A_294 = arith.extui %lt3A_293 : i1 to i32
      %cond3A_295 = arith.constant 0 : i32
      %cond3A_296 = arith.cmpi ne, %convert_element_type3A_294, %cond3A_295 : i32
      scf.if %cond3A_296 {
        %mul3A_314 = arith.constant 128 : i32
        %mul3A_315 = arith.muli %min3A_285, %mul3A_314 : i32
        %dma_start3A_316 = tpu.memref_slice %arg7[%mul3A_315] : memref<10240xi32, #tpu.memory_space<vmem>> -> memref<128xi32, #tpu.memory_space<vmem>>
        %dma_start3A_317 = arith.constant 0 : i32
        %dma_start3A_318 = arith.constant 0 : i32
        %dma_start3A_319 = tpu.memref_slice %arg2[%dma_start3A_317, %dma_start3A_318] : memref<10000x64xf32, #tpu.memory_space<hbm>> -> memref<10000x64xf32, #tpu.memory_space<hbm>>
        tpu.enqueue_indirect_dma source(%dma_start3A_319 : memref<10000x64xf32, #tpu.memory_space<hbm>>) target(%arg15 : memref<128x64xf32, #tpu.memory_space<vmem>>) offsets(%dma_start3A_316 : memref<128xi32, #tpu.memory_space<vmem>>) semaphore(%arg23 : memref<!tpu.dma_semaphore, #tpu.memory_space<semaphore_mem>>)
      } else {
      }
      %add3A_297 = arith.constant 8 : i32
      %add3A_298 = arith.addi %mul3A_54, %add3A_297 : i32
      %add3A_299 = arith.constant 7 : i32
      %add3A_300 = arith.addi %add3A_298, %add3A_299 : i32
      %min3A_301 = arith.constant 79 : i32
      %min3A_302 = arith.minsi %add3A_300, %min3A_301 : i32
      %mul3A_303 = arith.constant 128 : i32
      %mul3A_304 = arith.muli %min3A_302, %mul3A_303 : i32
      %dma_wait3A_305 = tpu.memref_slice %arg8[%mul3A_304] : memref<10240xi32, #tpu.memory_space<vmem>> -> memref<128xi32, #tpu.memory_space<vmem>>
      %dma_wait3A_306 = arith.constant 0 : i32
      %dma_wait3A_307 = arith.constant 0 : i32
      %dma_wait3A_308 = tpu.memref_slice %arg33[%dma_wait3A_306, %dma_wait3A_307] : memref<10240x64xf32, #tpu.memory_space<vmem_shared>> -> memref<10240x64xf32, #tpu.memory_space<vmem_shared>>
      tpu.wait_indirect_dma semaphore(%arg32 : memref<!tpu.dma_semaphore, #tpu.memory_space<semaphore_mem>>) src(%arg16 : memref<128x64xf32, #tpu.memory_space<vmem>>) dst(%dma_wait3A_308 : memref<10240x64xf32, #tpu.memory_space<vmem_shared>>)
      %lt3A_309 = arith.constant 9 : i32
      %lt3A_310 = arith.cmpi slt, %scan3A_52, %lt3A_309 : i32
      %convert_element_type3A_311 = arith.extui %lt3A_310 : i1 to i32
      %cond3A_312 = arith.constant 0 : i32
      %cond3A_313 = arith.cmpi ne, %convert_element_type3A_311, %cond3A_312 : i32
      scf.if %cond3A_313 {
        %mul3A_314 = arith.constant 128 : i32
        %mul3A_315 = arith.muli %min3A_302, %mul3A_314 : i32
        %dma_start3A_316 = tpu.memref_slice %arg7[%mul3A_315] : memref<10240xi32, #tpu.memory_space<vmem>> -> memref<128xi32, #tpu.memory_space<vmem>>
        %dma_start3A_317 = arith.constant 0 : i32
        %dma_start3A_318 = arith.constant 0 : i32
        %dma_start3A_319 = tpu.memref_slice %arg2[%dma_start3A_317, %dma_start3A_318] : memref<10000x64xf32, #tpu.memory_space<hbm>> -> memref<10000x64xf32, #tpu.memory_space<hbm>>
        tpu.enqueue_indirect_dma source(%dma_start3A_319 : memref<10000x64xf32, #tpu.memory_space<hbm>>) target(%arg16 : memref<128x64xf32, #tpu.memory_space<vmem>>) offsets(%dma_start3A_316 : memref<128xi32, #tpu.memory_space<vmem>>) semaphore(%arg24 : memref<!tpu.dma_semaphore, #tpu.memory_space<semaphore_mem>>)
      } else {
      }
    }
    %scan3A_50 = arith.constant 10 : i32
    %barrier3A_51 = arith.constant 0 : index
    tpu.barrier barrier_id(%barrier3A_51)
    "tpu.region"() ({
      %run_scoped3A = tpu.sem_alloc : memref<!tpu.dma_semaphore, #tpu.memory_space<semaphore_mem>>
      %dma_start3A_52 = arith.constant 0 : i32
      %dma_start3A_53 = tpu.memref_slice %arg6[%arg0, %mul3A_2, %dma_start3A_52] : memref<2x10000x128xf32, #tpu.memory_space<hbm>> -> memref<1x625x64xf32, #tpu.memory_space<hbm>>
      %dma_start3A_54 = tpu.memref_squeeze %dma_start3A_53 : memref<1x625x64xf32, #tpu.memory_space<hbm>> -> memref<625x64xf32, #tpu.memory_space<hbm>>
      %dma_start3A_55 = arith.constant 0 : i32
      %dma_start3A_56 = tpu.memref_slice %arg33[%mul3A_2, %dma_start3A_55] : memref<10240x64xf32, #tpu.memory_space<vmem_shared>> -> memref<625x64xf32, #tpu.memory_space<vmem_shared>>
      tpu.enqueue_dma source(%dma_start3A_56 : memref<625x64xf32, #tpu.memory_space<vmem_shared>>) target(%dma_start3A_54 : memref<625x64xf32, #tpu.memory_space<hbm>>) target_semaphore(%run_scoped3A : memref<!tpu.dma_semaphore, #tpu.memory_space<semaphore_mem>>)
      %dma_wait3A = arith.constant 0 : i32
      %dma_wait3A_57 = tpu.memref_slice %arg6[%arg0, %mul3A_2, %dma_wait3A] : memref<2x10000x128xf32, #tpu.memory_space<hbm>> -> memref<1x625x64xf32, #tpu.memory_space<hbm>>
      %dma_wait3A_58 = tpu.memref_squeeze %dma_wait3A_57 : memref<1x625x64xf32, #tpu.memory_space<hbm>> -> memref<625x64xf32, #tpu.memory_space<hbm>>
      %dma_wait3A_59 = arith.constant 0 : i32
      %dma_wait3A_60 = tpu.memref_slice %arg33[%mul3A_2, %dma_wait3A_59] : memref<10240x64xf32, #tpu.memory_space<vmem_shared>> -> memref<625x64xf32, #tpu.memory_space<vmem_shared>>
      tpu.wait_dma2 semaphore(%run_scoped3A : memref<!tpu.dma_semaphore, #tpu.memory_space<semaphore_mem>>) src(%dma_wait3A_60 : memref<625x64xf32, #tpu.memory_space<vmem_shared>>) dst(%dma_wait3A_58 : memref<625x64xf32, #tpu.memory_space<hbm>>)
      tpu.yield
    }) : () -> ()
    return
  }
}

#map = affine_map<(d0, d1) -> (0, 0)>
#map1 = affine_map<(d0, d1) -> (0)>
#map2 = affine_map<(d0, d1) -> (0, 0, 0)>
module attributes {stable_mosaic.version = 14 : i64} {
  func.func @_agg_body(%arg0: i32, %arg1: i32, %arg2: memref<10000x64xf32, #tpu.memory_space<hbm>>, %arg3: memref<327680xi32, #tpu.memory_space<hbm>>, %arg4: memref<327680xi32, #tpu.memory_space<hbm>>, %arg5: memref<10000x64xf32, #tpu.memory_space<hbm>>, %arg6: memref<2x10000x128xf32, #tpu.memory_space<hbm>>, %arg7: memref<10240xi32, #tpu.memory_space<vmem>>, %arg8: memref<10240xi32, #tpu.memory_space<vmem>>, %arg9: memref<128x64xf32, #tpu.memory_space<vmem>>, %arg10: memref<128x64xf32, #tpu.memory_space<vmem>>, %arg11: memref<128x64xf32, #tpu.memory_space<vmem>>, %arg12: memref<128x64xf32, #tpu.memory_space<vmem>>, %arg13: memref<128x64xf32, #tpu.memory_space<vmem>>, %arg14: memref<128x64xf32, #tpu.memory_space<vmem>>, %arg15: memref<128x64xf32, #tpu.memory_space<vmem>>, %arg16: memref<128x64xf32, #tpu.memory_space<vmem>>, %arg17: memref<!tpu.dma_semaphore, #tpu.memory_space<semaphore_mem>>, %arg18: memref<!tpu.dma_semaphore, #tpu.memory_space<semaphore_mem>>, %arg19: memref<!tpu.dma_semaphore, #tpu.memory_space<semaphore_mem>>, %arg20: memref<!tpu.dma_semaphore, #tpu.memory_space<semaphore_mem>>, %arg21: memref<!tpu.dma_semaphore, #tpu.memory_space<semaphore_mem>>, %arg22: memref<!tpu.dma_semaphore, #tpu.memory_space<semaphore_mem>>, %arg23: memref<!tpu.dma_semaphore, #tpu.memory_space<semaphore_mem>>, %arg24: memref<!tpu.dma_semaphore, #tpu.memory_space<semaphore_mem>>, %arg25: memref<!tpu.dma_semaphore, #tpu.memory_space<semaphore_mem>>, %arg26: memref<!tpu.dma_semaphore, #tpu.memory_space<semaphore_mem>>, %arg27: memref<!tpu.dma_semaphore, #tpu.memory_space<semaphore_mem>>, %arg28: memref<!tpu.dma_semaphore, #tpu.memory_space<semaphore_mem>>, %arg29: memref<!tpu.dma_semaphore, #tpu.memory_space<semaphore_mem>>, %arg30: memref<!tpu.dma_semaphore, #tpu.memory_space<semaphore_mem>>, %arg31: memref<!tpu.dma_semaphore, #tpu.memory_space<semaphore_mem>>, %arg32: memref<!tpu.dma_semaphore, #tpu.memory_space<semaphore_mem>>, %arg33: memref<10240x64xf32, #tpu.memory_space<vmem_shared>>) attributes {dimension_semantics = [#tpu.dimension_semantics<core_parallel>, #tpu.dimension_semantics<subcore_parallel>], iteration_bounds = array<i64: 2, 16>, scalar_prefetch = 0 : i64, scratch_operands = 27 : i64, tpu.core_type = #tpu.core_type<sc_vector_subcore>, window_params = [{transform_indices = #map}, {transform_indices = #map1}, {transform_indices = #map1}, {transform_indices = #map}, {transform_indices = #map2}]} {
    %mul3A = arith.constant 16 : i32
    %mul3A_0 = arith.muli %arg0, %mul3A : i32
    %add3A = arith.addi %mul3A_0, %arg1 : i32
    %mul3A_1 = arith.constant 625 : i32
    %mul3A_2 = arith.muli %arg1, %mul3A_1 : i32
    %mul3A_3 = arith.constant 10240 : i32
    %mul3A_4 = arith.muli %add3A, %mul3A_3 : i32
    "tpu.region"() ({
      %run_scoped3A = tpu.sem_alloc : memref<!tpu.dma_semaphore, #tpu.memory_space<semaphore_mem>>
      %dma_start3A_52 = tpu.memref_slice %arg3[%mul3A_4] : memref<327680xi32, #tpu.memory_space<hbm>> -> memref<10240xi32, #tpu.memory_space<hbm>>
      %dma_start3A_53 = tpu.memref_slice %arg3[%mul3A_4] : memref<327680xi32, #tpu.memory_space<hbm>> -> memref<10240xi32, #tpu.memory_space<hbm>>
      tpu.enqueue_dma source(%dma_start3A_53 : memref<10240xi32, #tpu.memory_space<hbm>>) target(%arg7 : memref<10240xi32, #tpu.memory_space<vmem>>) target_semaphore(%run_scoped3A : memref<!tpu.dma_semaphore, #tpu.memory_space<semaphore_mem>>)
      %dma_wait3A = tpu.memref_slice %arg3[%mul3A_4] : memref<327680xi32, #tpu.memory_space<hbm>> -> memref<10240xi32, #tpu.memory_space<hbm>>
      %dma_wait3A_54 = tpu.memref_slice %arg3[%mul3A_4] : memref<327680xi32, #tpu.memory_space<hbm>> -> memref<10240xi32, #tpu.memory_space<hbm>>
      tpu.wait_dma2 semaphore(%run_scoped3A : memref<!tpu.dma_semaphore, #tpu.memory_space<semaphore_mem>>) src(%dma_wait3A_54 : memref<10240xi32, #tpu.memory_space<hbm>>) dst(%arg7 : memref<10240xi32, #tpu.memory_space<vmem>>)
      tpu.yield
    }) : () -> ()
    %mul3A_5 = arith.constant 10240 : i32
    %mul3A_6 = arith.muli %add3A, %mul3A_5 : i32
    "tpu.region"() ({
      %run_scoped3A = tpu.sem_alloc : memref<!tpu.dma_semaphore, #tpu.memory_space<semaphore_mem>>
      %dma_start3A_52 = tpu.memref_slice %arg4[%mul3A_6] : memref<327680xi32, #tpu.memory_space<hbm>> -> memref<10240xi32, #tpu.memory_space<hbm>>
      %dma_start3A_53 = tpu.memref_slice %arg4[%mul3A_6] : memref<327680xi32, #tpu.memory_space<hbm>> -> memref<10240xi32, #tpu.memory_space<hbm>>
      tpu.enqueue_dma source(%dma_start3A_53 : memref<10240xi32, #tpu.memory_space<hbm>>) target(%arg8 : memref<10240xi32, #tpu.memory_space<vmem>>) target_semaphore(%run_scoped3A : memref<!tpu.dma_semaphore, #tpu.memory_space<semaphore_mem>>)
      %dma_wait3A = tpu.memref_slice %arg4[%mul3A_6] : memref<327680xi32, #tpu.memory_space<hbm>> -> memref<10240xi32, #tpu.memory_space<hbm>>
      %dma_wait3A_54 = tpu.memref_slice %arg4[%mul3A_6] : memref<327680xi32, #tpu.memory_space<hbm>> -> memref<10240xi32, #tpu.memory_space<hbm>>
      tpu.wait_dma2 semaphore(%run_scoped3A : memref<!tpu.dma_semaphore, #tpu.memory_space<semaphore_mem>>) src(%dma_wait3A_54 : memref<10240xi32, #tpu.memory_space<hbm>>) dst(%arg8 : memref<10240xi32, #tpu.memory_space<vmem>>)
      tpu.yield
    }) : () -> ()
    "tpu.region"() ({
      %run_scoped3A = tpu.sem_alloc : memref<!tpu.dma_semaphore, #tpu.memory_space<semaphore_mem>>
      %dma_start3A_52 = arith.constant 0 : i32
      %dma_start3A_53 = tpu.memref_slice %arg33[%mul3A_2, %dma_start3A_52] : memref<10240x64xf32, #tpu.memory_space<vmem_shared>> -> memref<625x64xf32, #tpu.memory_space<vmem_shared>>
      %dma_start3A_54 = arith.constant 0 : i32
      %dma_start3A_55 = tpu.memref_slice %arg5[%mul3A_2, %dma_start3A_54] : memref<10000x64xf32, #tpu.memory_space<hbm>> -> memref<625x64xf32, #tpu.memory_space<hbm>>
      tpu.enqueue_dma source(%dma_start3A_55 : memref<625x64xf32, #tpu.memory_space<hbm>>) target(%dma_start3A_53 : memref<625x64xf32, #tpu.memory_space<vmem_shared>>) target_semaphore(%run_scoped3A : memref<!tpu.dma_semaphore, #tpu.memory_space<semaphore_mem>>)
      %dma_wait3A = arith.constant 0 : i32
      %dma_wait3A_56 = tpu.memref_slice %arg33[%mul3A_2, %dma_wait3A] : memref<10240x64xf32, #tpu.memory_space<vmem_shared>> -> memref<625x64xf32, #tpu.memory_space<vmem_shared>>
      %dma_wait3A_57 = arith.constant 0 : i32
      %dma_wait3A_58 = tpu.memref_slice %arg5[%mul3A_2, %dma_wait3A_57] : memref<10000x64xf32, #tpu.memory_space<hbm>> -> memref<625x64xf32, #tpu.memory_space<hbm>>
      tpu.wait_dma2 semaphore(%run_scoped3A : memref<!tpu.dma_semaphore, #tpu.memory_space<semaphore_mem>>) src(%dma_wait3A_58 : memref<625x64xf32, #tpu.memory_space<hbm>>) dst(%dma_wait3A_56 : memref<625x64xf32, #tpu.memory_space<vmem_shared>>)
      tpu.yield
    }) : () -> ()
    %barrier3A = arith.constant 0 : index
    tpu.barrier barrier_id(%barrier3A)
    %dma_start3A = arith.constant 0 : i32
    %dma_start3A_7 = tpu.memref_slice %arg7[%dma_start3A] : memref<10240xi32, #tpu.memory_space<vmem>> -> memref<128xi32, #tpu.memory_space<vmem>>
    %dma_start3A_8 = arith.constant 0 : i32
    %dma_start3A_9 = arith.constant 0 : i32
    %dma_start3A_10 = tpu.memref_slice %arg2[%dma_start3A_8, %dma_start3A_9] : memref<10000x64xf32, #tpu.memory_space<hbm>> -> memref<10000x64xf32, #tpu.memory_space<hbm>>
    tpu.enqueue_indirect_dma source(%dma_start3A_10 : memref<10000x64xf32, #tpu.memory_space<hbm>>) target(%arg9 : memref<128x64xf32, #tpu.memory_space<vmem>>) offsets(%dma_start3A_7 : memref<128xi32, #tpu.memory_space<vmem>>) semaphore(%arg17 : memref<!tpu.dma_semaphore, #tpu.memory_space<semaphore_mem>>)
    %dma_start3A_11 = arith.constant 128 : i32
    %dma_start3A_12 = tpu.memref_slice %arg7[%dma_start3A_11] : memref<10240xi32, #tpu.memory_space<vmem>> -> memref<128xi32, #tpu.memory_space<vmem>>
    %dma_start3A_13 = arith.constant 0 : i32
    %dma_start3A_14 = arith.constant 0 : i32
    %dma_start3A_15 = tpu.memref_slice %arg2[%dma_start3A_13, %dma_start3A_14] : memref<10000x64xf32, #tpu.memory_space<hbm>> -> memref<10000x64xf32, #tpu.memory_space<hbm>>
    tpu.enqueue_indirect_dma source(%dma_start3A_15 : memref<10000x64xf32, #tpu.memory_space<hbm>>) target(%arg10 : memref<128x64xf32, #tpu.memory_space<vmem>>) offsets(%dma_start3A_12 : memref<128xi32, #tpu.memory_space<vmem>>) semaphore(%arg18 : memref<!tpu.dma_semaphore, #tpu.memory_space<semaphore_mem>>)
    %dma_start3A_16 = arith.constant 256 : i32
    %dma_start3A_17 = tpu.memref_slice %arg7[%dma_start3A_16] : memref<10240xi32, #tpu.memory_space<vmem>> -> memref<128xi32, #tpu.memory_space<vmem>>
    %dma_start3A_18 = arith.constant 0 : i32
    %dma_start3A_19 = arith.constant 0 : i32
    %dma_start3A_20 = tpu.memref_slice %arg2[%dma_start3A_18, %dma_start3A_19] : memref<10000x64xf32, #tpu.memory_space<hbm>> -> memref<10000x64xf32, #tpu.memory_space<hbm>>
    tpu.enqueue_indirect_dma source(%dma_start3A_20 : memref<10000x64xf32, #tpu.memory_space<hbm>>) target(%arg11 : memref<128x64xf32, #tpu.memory_space<vmem>>) offsets(%dma_start3A_17 : memref<128xi32, #tpu.memory_space<vmem>>) semaphore(%arg19 : memref<!tpu.dma_semaphore, #tpu.memory_space<semaphore_mem>>)
    %dma_start3A_21 = arith.constant 384 : i32
    %dma_start3A_22 = tpu.memref_slice %arg7[%dma_start3A_21] : memref<10240xi32, #tpu.memory_space<vmem>> -> memref<128xi32, #tpu.memory_space<vmem>>
    %dma_start3A_23 = arith.constant 0 : i32
    %dma_start3A_24 = arith.constant 0 : i32
    %dma_start3A_25 = tpu.memref_slice %arg2[%dma_start3A_23, %dma_start3A_24] : memref<10000x64xf32, #tpu.memory_space<hbm>> -> memref<10000x64xf32, #tpu.memory_space<hbm>>
    tpu.enqueue_indirect_dma source(%dma_start3A_25 : memref<10000x64xf32, #tpu.memory_space<hbm>>) target(%arg12 : memref<128x64xf32, #tpu.memory_space<vmem>>) offsets(%dma_start3A_22 : memref<128xi32, #tpu.memory_space<vmem>>) semaphore(%arg20 : memref<!tpu.dma_semaphore, #tpu.memory_space<semaphore_mem>>)
    %dma_start3A_26 = arith.constant 512 : i32
    %dma_start3A_27 = tpu.memref_slice %arg7[%dma_start3A_26] : memref<10240xi32, #tpu.memory_space<vmem>> -> memref<128xi32, #tpu.memory_space<vmem>>
    %dma_start3A_28 = arith.constant 0 : i32
    %dma_start3A_29 = arith.constant 0 : i32
    %dma_start3A_30 = tpu.memref_slice %arg2[%dma_start3A_28, %dma_start3A_29] : memref<10000x64xf32, #tpu.memory_space<hbm>> -> memref<10000x64xf32, #tpu.memory_space<hbm>>
    tpu.enqueue_indirect_dma source(%dma_start3A_30 : memref<10000x64xf32, #tpu.memory_space<hbm>>) target(%arg13 : memref<128x64xf32, #tpu.memory_space<vmem>>) offsets(%dma_start3A_27 : memref<128xi32, #tpu.memory_space<vmem>>) semaphore(%arg21 : memref<!tpu.dma_semaphore, #tpu.memory_space<semaphore_mem>>)
    %dma_start3A_31 = arith.constant 640 : i32
    %dma_start3A_32 = tpu.memref_slice %arg7[%dma_start3A_31] : memref<10240xi32, #tpu.memory_space<vmem>> -> memref<128xi32, #tpu.memory_space<vmem>>
    %dma_start3A_33 = arith.constant 0 : i32
    %dma_start3A_34 = arith.constant 0 : i32
    %dma_start3A_35 = tpu.memref_slice %arg2[%dma_start3A_33, %dma_start3A_34] : memref<10000x64xf32, #tpu.memory_space<hbm>> -> memref<10000x64xf32, #tpu.memory_space<hbm>>
    tpu.enqueue_indirect_dma source(%dma_start3A_35 : memref<10000x64xf32, #tpu.memory_space<hbm>>) target(%arg14 : memref<128x64xf32, #tpu.memory_space<vmem>>) offsets(%dma_start3A_32 : memref<128xi32, #tpu.memory_space<vmem>>) semaphore(%arg22 : memref<!tpu.dma_semaphore, #tpu.memory_space<semaphore_mem>>)
    %dma_start3A_36 = arith.constant 768 : i32
    %dma_start3A_37 = tpu.memref_slice %arg7[%dma_start3A_36] : memref<10240xi32, #tpu.memory_space<vmem>> -> memref<128xi32, #tpu.memory_space<vmem>>
    %dma_start3A_38 = arith.constant 0 : i32
    %dma_start3A_39 = arith.constant 0 : i32
    %dma_start3A_40 = tpu.memref_slice %arg2[%dma_start3A_38, %dma_start3A_39] : memref<10000x64xf32, #tpu.memory_space<hbm>> -> memref<10000x64xf32, #tpu.memory_space<hbm>>
    tpu.enqueue_indirect_dma source(%dma_start3A_40 : memref<10000x64xf32, #tpu.memory_space<hbm>>) target(%arg15 : memref<128x64xf32, #tpu.memory_space<vmem>>) offsets(%dma_start3A_37 : memref<128xi32, #tpu.memory_space<vmem>>) semaphore(%arg23 : memref<!tpu.dma_semaphore, #tpu.memory_space<semaphore_mem>>)
    %dma_start3A_41 = arith.constant 896 : i32
    %dma_start3A_42 = tpu.memref_slice %arg7[%dma_start3A_41] : memref<10240xi32, #tpu.memory_space<vmem>> -> memref<128xi32, #tpu.memory_space<vmem>>
    %dma_start3A_43 = arith.constant 0 : i32
    %dma_start3A_44 = arith.constant 0 : i32
    %dma_start3A_45 = tpu.memref_slice %arg2[%dma_start3A_43, %dma_start3A_44] : memref<10000x64xf32, #tpu.memory_space<hbm>> -> memref<10000x64xf32, #tpu.memory_space<hbm>>
    tpu.enqueue_indirect_dma source(%dma_start3A_45 : memref<10000x64xf32, #tpu.memory_space<hbm>>) target(%arg16 : memref<128x64xf32, #tpu.memory_space<vmem>>) offsets(%dma_start3A_42 : memref<128xi32, #tpu.memory_space<vmem>>) semaphore(%arg24 : memref<!tpu.dma_semaphore, #tpu.memory_space<semaphore_mem>>)
    %scan3A = arith.constant 0 : i32
    %scan3A_46 = arith.constant 0 : i32
    %scan3A_47 = arith.constant 10 : i32
    %scan3A_48 = arith.addi %scan3A_46, %scan3A_47 : i32
    %scan3A_49 = arith.constant 1 : i32
    scf.for %scan3A_52 = %scan3A_46 to %scan3A_48 step %scan3A_49  : i32 {
      %mul3A_53 = arith.constant 8 : i32
      %mul3A_54 = arith.muli %scan3A_52, %mul3A_53 : i32
      %add3A_55 = arith.constant 0 : i32
      %add3A_56 = arith.addi %mul3A_54, %add3A_55 : i32
      %mul3A_57 = arith.constant 128 : i32
      %mul3A_58 = arith.muli %add3A_56, %mul3A_57 : i32
      %dma_wait3A = tpu.memref_slice %arg7[%mul3A_58] : memref<10240xi32, #tpu.memory_space<vmem>> -> memref<128xi32, #tpu.memory_space<vmem>>
      %dma_wait3A_59 = arith.constant 0 : i32
      %dma_wait3A_60 = arith.constant 0 : i32
      %dma_wait3A_61 = tpu.memref_slice %arg2[%dma_wait3A_59, %dma_wait3A_60] : memref<10000x64xf32, #tpu.memory_space<hbm>> -> memref<10000x64xf32, #tpu.memory_space<hbm>>
      tpu.wait_indirect_dma semaphore(%arg17 : memref<!tpu.dma_semaphore, #tpu.memory_space<semaphore_mem>>) src(%dma_wait3A_61 : memref<10000x64xf32, #tpu.memory_space<hbm>>) dst(%arg9 : memref<128x64xf32, #tpu.memory_space<vmem>>)
      %add3A_62 = arith.constant 0 : i32
      %add3A_63 = arith.addi %mul3A_54, %add3A_62 : i32
      %mul3A_64 = arith.constant 128 : i32
      %mul3A_65 = arith.muli %add3A_63, %mul3A_64 : i32
      %dma_start3A_66 = tpu.memref_slice %arg8[%mul3A_65] : memref<10240xi32, #tpu.memory_space<vmem>> -> memref<128xi32, #tpu.memory_space<vmem>>
      %dma_start3A_67 = arith.constant 0 : i32
      %dma_start3A_68 = arith.constant 0 : i32
      %dma_start3A_69 = tpu.memref_slice %arg33[%dma_start3A_67, %dma_start3A_68] : memref<10240x64xf32, #tpu.memory_space<vmem_shared>> -> memref<10240x64xf32, #tpu.memory_space<vmem_shared>>
      tpu.enqueue_indirect_dma source(%arg9 : memref<128x64xf32, #tpu.memory_space<vmem>>) target(%dma_start3A_69 : memref<10240x64xf32, #tpu.memory_space<vmem_shared>>) offsets(%dma_start3A_66 : memref<128xi32, #tpu.memory_space<vmem>>) semaphore(%arg25 : memref<!tpu.dma_semaphore, #tpu.memory_space<semaphore_mem>>) {add = true}
      %add3A_70 = arith.constant 1 : i32
      %add3A_71 = arith.addi %mul3A_54, %add3A_70 : i32
      %mul3A_72 = arith.constant 128 : i32
      %mul3A_73 = arith.muli %add3A_71, %mul3A_72 : i32
      %dma_wait3A_74 = tpu.memref_slice %arg7[%mul3A_73] : memref<10240xi32, #tpu.memory_space<vmem>> -> memref<128xi32, #tpu.memory_space<vmem>>
      %dma_wait3A_75 = arith.constant 0 : i32
      %dma_wait3A_76 = arith.constant 0 : i32
      %dma_wait3A_77 = tpu.memref_slice %arg2[%dma_wait3A_75, %dma_wait3A_76] : memref<10000x64xf32, #tpu.memory_space<hbm>> -> memref<10000x64xf32, #tpu.memory_space<hbm>>
      tpu.wait_indirect_dma semaphore(%arg18 : memref<!tpu.dma_semaphore, #tpu.memory_space<semaphore_mem>>) src(%dma_wait3A_77 : memref<10000x64xf32, #tpu.memory_space<hbm>>) dst(%arg10 : memref<128x64xf32, #tpu.memory_space<vmem>>)
      %add3A_78 = arith.constant 1 : i32
      %add3A_79 = arith.addi %mul3A_54, %add3A_78 : i32
      %mul3A_80 = arith.constant 128 : i32
      %mul3A_81 = arith.muli %add3A_79, %mul3A_80 : i32
      %dma_start3A_82 = tpu.memref_slice %arg8[%mul3A_81] : memref<10240xi32, #tpu.memory_space<vmem>> -> memref<128xi32, #tpu.memory_space<vmem>>
      %dma_start3A_83 = arith.constant 0 : i32
      %dma_start3A_84 = arith.constant 0 : i32
      %dma_start3A_85 = tpu.memref_slice %arg33[%dma_start3A_83, %dma_start3A_84] : memref<10240x64xf32, #tpu.memory_space<vmem_shared>> -> memref<10240x64xf32, #tpu.memory_space<vmem_shared>>
      tpu.enqueue_indirect_dma source(%arg10 : memref<128x64xf32, #tpu.memory_space<vmem>>) target(%dma_start3A_85 : memref<10240x64xf32, #tpu.memory_space<vmem_shared>>) offsets(%dma_start3A_82 : memref<128xi32, #tpu.memory_space<vmem>>) semaphore(%arg26 : memref<!tpu.dma_semaphore, #tpu.memory_space<semaphore_mem>>) {add = true}
      %add3A_86 = arith.constant 2 : i32
      %add3A_87 = arith.addi %mul3A_54, %add3A_86 : i32
      %mul3A_88 = arith.constant 128 : i32
      %mul3A_89 = arith.muli %add3A_87, %mul3A_88 : i32
      %dma_wait3A_90 = tpu.memref_slice %arg7[%mul3A_89] : memref<10240xi32, #tpu.memory_space<vmem>> -> memref<128xi32, #tpu.memory_space<vmem>>
      %dma_wait3A_91 = arith.constant 0 : i32
      %dma_wait3A_92 = arith.constant 0 : i32
      %dma_wait3A_93 = tpu.memref_slice %arg2[%dma_wait3A_91, %dma_wait3A_92] : memref<10000x64xf32, #tpu.memory_space<hbm>> -> memref<10000x64xf32, #tpu.memory_space<hbm>>
      tpu.wait_indirect_dma semaphore(%arg19 : memref<!tpu.dma_semaphore, #tpu.memory_space<semaphore_mem>>) src(%dma_wait3A_93 : memref<10000x64xf32, #tpu.memory_space<hbm>>) dst(%arg11 : memref<128x64xf32, #tpu.memory_space<vmem>>)
      %add3A_94 = arith.constant 2 : i32
      %add3A_95 = arith.addi %mul3A_54, %add3A_94 : i32
      %mul3A_96 = arith.constant 128 : i32
      %mul3A_97 = arith.muli %add3A_95, %mul3A_96 : i32
      %dma_start3A_98 = tpu.memref_slice %arg8[%mul3A_97] : memref<10240xi32, #tpu.memory_space<vmem>> -> memref<128xi32, #tpu.memory_space<vmem>>
      %dma_start3A_99 = arith.constant 0 : i32
      %dma_start3A_100 = arith.constant 0 : i32
      %dma_start3A_101 = tpu.memref_slice %arg33[%dma_start3A_99, %dma_start3A_100] : memref<10240x64xf32, #tpu.memory_space<vmem_shared>> -> memref<10240x64xf32, #tpu.memory_space<vmem_shared>>
      tpu.enqueue_indirect_dma source(%arg11 : memref<128x64xf32, #tpu.memory_space<vmem>>) target(%dma_start3A_101 : memref<10240x64xf32, #tpu.memory_space<vmem_shared>>) offsets(%dma_start3A_98 : memref<128xi32, #tpu.memory_space<vmem>>) semaphore(%arg27 : memref<!tpu.dma_semaphore, #tpu.memory_space<semaphore_mem>>) {add = true}
      %add3A_102 = arith.constant 3 : i32
      %add3A_103 = arith.addi %mul3A_54, %add3A_102 : i32
      %mul3A_104 = arith.constant 128 : i32
      %mul3A_105 = arith.muli %add3A_103, %mul3A_104 : i32
      %dma_wait3A_106 = tpu.memref_slice %arg7[%mul3A_105] : memref<10240xi32, #tpu.memory_space<vmem>> -> memref<128xi32, #tpu.memory_space<vmem>>
      %dma_wait3A_107 = arith.constant 0 : i32
      %dma_wait3A_108 = arith.constant 0 : i32
      %dma_wait3A_109 = tpu.memref_slice %arg2[%dma_wait3A_107, %dma_wait3A_108] : memref<10000x64xf32, #tpu.memory_space<hbm>> -> memref<10000x64xf32, #tpu.memory_space<hbm>>
      tpu.wait_indirect_dma semaphore(%arg20 : memref<!tpu.dma_semaphore, #tpu.memory_space<semaphore_mem>>) src(%dma_wait3A_109 : memref<10000x64xf32, #tpu.memory_space<hbm>>) dst(%arg12 : memref<128x64xf32, #tpu.memory_space<vmem>>)
      %add3A_110 = arith.constant 3 : i32
      %add3A_111 = arith.addi %mul3A_54, %add3A_110 : i32
      %mul3A_112 = arith.constant 128 : i32
      %mul3A_113 = arith.muli %add3A_111, %mul3A_112 : i32
      %dma_start3A_114 = tpu.memref_slice %arg8[%mul3A_113] : memref<10240xi32, #tpu.memory_space<vmem>> -> memref<128xi32, #tpu.memory_space<vmem>>
      %dma_start3A_115 = arith.constant 0 : i32
      %dma_start3A_116 = arith.constant 0 : i32
      %dma_start3A_117 = tpu.memref_slice %arg33[%dma_start3A_115, %dma_start3A_116] : memref<10240x64xf32, #tpu.memory_space<vmem_shared>> -> memref<10240x64xf32, #tpu.memory_space<vmem_shared>>
      tpu.enqueue_indirect_dma source(%arg12 : memref<128x64xf32, #tpu.memory_space<vmem>>) target(%dma_start3A_117 : memref<10240x64xf32, #tpu.memory_space<vmem_shared>>) offsets(%dma_start3A_114 : memref<128xi32, #tpu.memory_space<vmem>>) semaphore(%arg28 : memref<!tpu.dma_semaphore, #tpu.memory_space<semaphore_mem>>) {add = true}
      %add3A_118 = arith.constant 4 : i32
      %add3A_119 = arith.addi %mul3A_54, %add3A_118 : i32
      %mul3A_120 = arith.constant 128 : i32
      %mul3A_121 = arith.muli %add3A_119, %mul3A_120 : i32
      %dma_wait3A_122 = tpu.memref_slice %arg7[%mul3A_121] : memref<10240xi32, #tpu.memory_space<vmem>> -> memref<128xi32, #tpu.memory_space<vmem>>
      %dma_wait3A_123 = arith.constant 0 : i32
      %dma_wait3A_124 = arith.constant 0 : i32
      %dma_wait3A_125 = tpu.memref_slice %arg2[%dma_wait3A_123, %dma_wait3A_124] : memref<10000x64xf32, #tpu.memory_space<hbm>> -> memref<10000x64xf32, #tpu.memory_space<hbm>>
      tpu.wait_indirect_dma semaphore(%arg21 : memref<!tpu.dma_semaphore, #tpu.memory_space<semaphore_mem>>) src(%dma_wait3A_125 : memref<10000x64xf32, #tpu.memory_space<hbm>>) dst(%arg13 : memref<128x64xf32, #tpu.memory_space<vmem>>)
      %add3A_126 = arith.constant 4 : i32
      %add3A_127 = arith.addi %mul3A_54, %add3A_126 : i32
      %mul3A_128 = arith.constant 128 : i32
      %mul3A_129 = arith.muli %add3A_127, %mul3A_128 : i32
      %dma_start3A_130 = tpu.memref_slice %arg8[%mul3A_129] : memref<10240xi32, #tpu.memory_space<vmem>> -> memref<128xi32, #tpu.memory_space<vmem>>
      %dma_start3A_131 = arith.constant 0 : i32
      %dma_start3A_132 = arith.constant 0 : i32
      %dma_start3A_133 = tpu.memref_slice %arg33[%dma_start3A_131, %dma_start3A_132] : memref<10240x64xf32, #tpu.memory_space<vmem_shared>> -> memref<10240x64xf32, #tpu.memory_space<vmem_shared>>
      tpu.enqueue_indirect_dma source(%arg13 : memref<128x64xf32, #tpu.memory_space<vmem>>) target(%dma_start3A_133 : memref<10240x64xf32, #tpu.memory_space<vmem_shared>>) offsets(%dma_start3A_130 : memref<128xi32, #tpu.memory_space<vmem>>) semaphore(%arg29 : memref<!tpu.dma_semaphore, #tpu.memory_space<semaphore_mem>>) {add = true}
      %add3A_134 = arith.constant 5 : i32
      %add3A_135 = arith.addi %mul3A_54, %add3A_134 : i32
      %mul3A_136 = arith.constant 128 : i32
      %mul3A_137 = arith.muli %add3A_135, %mul3A_136 : i32
      %dma_wait3A_138 = tpu.memref_slice %arg7[%mul3A_137] : memref<10240xi32, #tpu.memory_space<vmem>> -> memref<128xi32, #tpu.memory_space<vmem>>
      %dma_wait3A_139 = arith.constant 0 : i32
      %dma_wait3A_140 = arith.constant 0 : i32
      %dma_wait3A_141 = tpu.memref_slice %arg2[%dma_wait3A_139, %dma_wait3A_140] : memref<10000x64xf32, #tpu.memory_space<hbm>> -> memref<10000x64xf32, #tpu.memory_space<hbm>>
      tpu.wait_indirect_dma semaphore(%arg22 : memref<!tpu.dma_semaphore, #tpu.memory_space<semaphore_mem>>) src(%dma_wait3A_141 : memref<10000x64xf32, #tpu.memory_space<hbm>>) dst(%arg14 : memref<128x64xf32, #tpu.memory_space<vmem>>)
      %add3A_142 = arith.constant 5 : i32
      %add3A_143 = arith.addi %mul3A_54, %add3A_142 : i32
      %mul3A_144 = arith.constant 128 : i32
      %mul3A_145 = arith.muli %add3A_143, %mul3A_144 : i32
      %dma_start3A_146 = tpu.memref_slice %arg8[%mul3A_145] : memref<10240xi32, #tpu.memory_space<vmem>> -> memref<128xi32, #tpu.memory_space<vmem>>
      %dma_start3A_147 = arith.constant 0 : i32
      %dma_start3A_148 = arith.constant 0 : i32
      %dma_start3A_149 = tpu.memref_slice %arg33[%dma_start3A_147, %dma_start3A_148] : memref<10240x64xf32, #tpu.memory_space<vmem_shared>> -> memref<10240x64xf32, #tpu.memory_space<vmem_shared>>
      tpu.enqueue_indirect_dma source(%arg14 : memref<128x64xf32, #tpu.memory_space<vmem>>) target(%dma_start3A_149 : memref<10240x64xf32, #tpu.memory_space<vmem_shared>>) offsets(%dma_start3A_146 : memref<128xi32, #tpu.memory_space<vmem>>) semaphore(%arg30 : memref<!tpu.dma_semaphore, #tpu.memory_space<semaphore_mem>>) {add = true}
      %add3A_150 = arith.constant 6 : i32
      %add3A_151 = arith.addi %mul3A_54, %add3A_150 : i32
      %mul3A_152 = arith.constant 128 : i32
      %mul3A_153 = arith.muli %add3A_151, %mul3A_152 : i32
      %dma_wait3A_154 = tpu.memref_slice %arg7[%mul3A_153] : memref<10240xi32, #tpu.memory_space<vmem>> -> memref<128xi32, #tpu.memory_space<vmem>>
      %dma_wait3A_155 = arith.constant 0 : i32
      %dma_wait3A_156 = arith.constant 0 : i32
      %dma_wait3A_157 = tpu.memref_slice %arg2[%dma_wait3A_155, %dma_wait3A_156] : memref<10000x64xf32, #tpu.memory_space<hbm>> -> memref<10000x64xf32, #tpu.memory_space<hbm>>
      tpu.wait_indirect_dma semaphore(%arg23 : memref<!tpu.dma_semaphore, #tpu.memory_space<semaphore_mem>>) src(%dma_wait3A_157 : memref<10000x64xf32, #tpu.memory_space<hbm>>) dst(%arg15 : memref<128x64xf32, #tpu.memory_space<vmem>>)
      %add3A_158 = arith.constant 6 : i32
      %add3A_159 = arith.addi %mul3A_54, %add3A_158 : i32
      %mul3A_160 = arith.constant 128 : i32
      %mul3A_161 = arith.muli %add3A_159, %mul3A_160 : i32
      %dma_start3A_162 = tpu.memref_slice %arg8[%mul3A_161] : memref<10240xi32, #tpu.memory_space<vmem>> -> memref<128xi32, #tpu.memory_space<vmem>>
      %dma_start3A_163 = arith.constant 0 : i32
      %dma_start3A_164 = arith.constant 0 : i32
      %dma_start3A_165 = tpu.memref_slice %arg33[%dma_start3A_163, %dma_start3A_164] : memref<10240x64xf32, #tpu.memory_space<vmem_shared>> -> memref<10240x64xf32, #tpu.memory_space<vmem_shared>>
      tpu.enqueue_indirect_dma source(%arg15 : memref<128x64xf32, #tpu.memory_space<vmem>>) target(%dma_start3A_165 : memref<10240x64xf32, #tpu.memory_space<vmem_shared>>) offsets(%dma_start3A_162 : memref<128xi32, #tpu.memory_space<vmem>>) semaphore(%arg31 : memref<!tpu.dma_semaphore, #tpu.memory_space<semaphore_mem>>) {add = true}
      %add3A_166 = arith.constant 7 : i32
      %add3A_167 = arith.addi %mul3A_54, %add3A_166 : i32
      %mul3A_168 = arith.constant 128 : i32
      %mul3A_169 = arith.muli %add3A_167, %mul3A_168 : i32
      %dma_wait3A_170 = tpu.memref_slice %arg7[%mul3A_169] : memref<10240xi32, #tpu.memory_space<vmem>> -> memref<128xi32, #tpu.memory_space<vmem>>
      %dma_wait3A_171 = arith.constant 0 : i32
      %dma_wait3A_172 = arith.constant 0 : i32
      %dma_wait3A_173 = tpu.memref_slice %arg2[%dma_wait3A_171, %dma_wait3A_172] : memref<10000x64xf32, #tpu.memory_space<hbm>> -> memref<10000x64xf32, #tpu.memory_space<hbm>>
      tpu.wait_indirect_dma semaphore(%arg24 : memref<!tpu.dma_semaphore, #tpu.memory_space<semaphore_mem>>) src(%dma_wait3A_173 : memref<10000x64xf32, #tpu.memory_space<hbm>>) dst(%arg16 : memref<128x64xf32, #tpu.memory_space<vmem>>)
      %add3A_174 = arith.constant 7 : i32
      %add3A_175 = arith.addi %mul3A_54, %add3A_174 : i32
      %mul3A_176 = arith.constant 128 : i32
      %mul3A_177 = arith.muli %add3A_175, %mul3A_176 : i32
      %dma_start3A_178 = tpu.memref_slice %arg8[%mul3A_177] : memref<10240xi32, #tpu.memory_space<vmem>> -> memref<128xi32, #tpu.memory_space<vmem>>
      %dma_start3A_179 = arith.constant 0 : i32
      %dma_start3A_180 = arith.constant 0 : i32
      %dma_start3A_181 = tpu.memref_slice %arg33[%dma_start3A_179, %dma_start3A_180] : memref<10240x64xf32, #tpu.memory_space<vmem_shared>> -> memref<10240x64xf32, #tpu.memory_space<vmem_shared>>
      tpu.enqueue_indirect_dma source(%arg16 : memref<128x64xf32, #tpu.memory_space<vmem>>) target(%dma_start3A_181 : memref<10240x64xf32, #tpu.memory_space<vmem_shared>>) offsets(%dma_start3A_178 : memref<128xi32, #tpu.memory_space<vmem>>) semaphore(%arg32 : memref<!tpu.dma_semaphore, #tpu.memory_space<semaphore_mem>>) {add = true}
      %add3A_182 = arith.constant 8 : i32
      %add3A_183 = arith.addi %mul3A_54, %add3A_182 : i32
      %add3A_184 = arith.constant 0 : i32
      %add3A_185 = arith.addi %add3A_183, %add3A_184 : i32
      %min3A = arith.constant 79 : i32
      %min3A_186 = arith.minsi %add3A_185, %min3A : i32
      %mul3A_187 = arith.constant 128 : i32
      %mul3A_188 = arith.muli %min3A_186, %mul3A_187 : i32
      %dma_wait3A_189 = tpu.memref_slice %arg8[%mul3A_188] : memref<10240xi32, #tpu.memory_space<vmem>> -> memref<128xi32, #tpu.memory_space<vmem>>
      %dma_wait3A_190 = arith.constant 0 : i32
      %dma_wait3A_191 = arith.constant 0 : i32
      %dma_wait3A_192 = tpu.memref_slice %arg33[%dma_wait3A_190, %dma_wait3A_191] : memref<10240x64xf32, #tpu.memory_space<vmem_shared>> -> memref<10240x64xf32, #tpu.memory_space<vmem_shared>>
      tpu.wait_indirect_dma semaphore(%arg25 : memref<!tpu.dma_semaphore, #tpu.memory_space<semaphore_mem>>) src(%arg9 : memref<128x64xf32, #tpu.memory_space<vmem>>) dst(%dma_wait3A_192 : memref<10240x64xf32, #tpu.memory_space<vmem_shared>>)
      %lt3A = arith.constant 9 : i32
      %lt3A_193 = arith.cmpi slt, %scan3A_52, %lt3A : i32
      %convert_element_type3A = arith.extui %lt3A_193 : i1 to i32
      %cond3A = arith.constant 0 : i32
      %cond3A_194 = arith.cmpi ne, %convert_element_type3A, %cond3A : i32
      scf.if %cond3A_194 {
        %mul3A_314 = arith.constant 128 : i32
        %mul3A_315 = arith.muli %min3A_186, %mul3A_314 : i32
        %dma_start3A_316 = tpu.memref_slice %arg7[%mul3A_315] : memref<10240xi32, #tpu.memory_space<vmem>> -> memref<128xi32, #tpu.memory_space<vmem>>
        %dma_start3A_317 = arith.constant 0 : i32
        %dma_start3A_318 = arith.constant 0 : i32
        %dma_start3A_319 = tpu.memref_slice %arg2[%dma_start3A_317, %dma_start3A_318] : memref<10000x64xf32, #tpu.memory_space<hbm>> -> memref<10000x64xf32, #tpu.memory_space<hbm>>
        tpu.enqueue_indirect_dma source(%dma_start3A_319 : memref<10000x64xf32, #tpu.memory_space<hbm>>) target(%arg9 : memref<128x64xf32, #tpu.memory_space<vmem>>) offsets(%dma_start3A_316 : memref<128xi32, #tpu.memory_space<vmem>>) semaphore(%arg17 : memref<!tpu.dma_semaphore, #tpu.memory_space<semaphore_mem>>)
      } else {
      }
      %add3A_195 = arith.constant 8 : i32
      %add3A_196 = arith.addi %mul3A_54, %add3A_195 : i32
      %add3A_197 = arith.constant 1 : i32
      %add3A_198 = arith.addi %add3A_196, %add3A_197 : i32
      %min3A_199 = arith.constant 79 : i32
      %min3A_200 = arith.minsi %add3A_198, %min3A_199 : i32
      %mul3A_201 = arith.constant 128 : i32
      %mul3A_202 = arith.muli %min3A_200, %mul3A_201 : i32
      %dma_wait3A_203 = tpu.memref_slice %arg8[%mul3A_202] : memref<10240xi32, #tpu.memory_space<vmem>> -> memref<128xi32, #tpu.memory_space<vmem>>
      %dma_wait3A_204 = arith.constant 0 : i32
      %dma_wait3A_205 = arith.constant 0 : i32
      %dma_wait3A_206 = tpu.memref_slice %arg33[%dma_wait3A_204, %dma_wait3A_205] : memref<10240x64xf32, #tpu.memory_space<vmem_shared>> -> memref<10240x64xf32, #tpu.memory_space<vmem_shared>>
      tpu.wait_indirect_dma semaphore(%arg26 : memref<!tpu.dma_semaphore, #tpu.memory_space<semaphore_mem>>) src(%arg10 : memref<128x64xf32, #tpu.memory_space<vmem>>) dst(%dma_wait3A_206 : memref<10240x64xf32, #tpu.memory_space<vmem_shared>>)
      %lt3A_207 = arith.constant 9 : i32
      %lt3A_208 = arith.cmpi slt, %scan3A_52, %lt3A_207 : i32
      %convert_element_type3A_209 = arith.extui %lt3A_208 : i1 to i32
      %cond3A_210 = arith.constant 0 : i32
      %cond3A_211 = arith.cmpi ne, %convert_element_type3A_209, %cond3A_210 : i32
      scf.if %cond3A_211 {
        %mul3A_314 = arith.constant 128 : i32
        %mul3A_315 = arith.muli %min3A_200, %mul3A_314 : i32
        %dma_start3A_316 = tpu.memref_slice %arg7[%mul3A_315] : memref<10240xi32, #tpu.memory_space<vmem>> -> memref<128xi32, #tpu.memory_space<vmem>>
        %dma_start3A_317 = arith.constant 0 : i32
        %dma_start3A_318 = arith.constant 0 : i32
        %dma_start3A_319 = tpu.memref_slice %arg2[%dma_start3A_317, %dma_start3A_318] : memref<10000x64xf32, #tpu.memory_space<hbm>> -> memref<10000x64xf32, #tpu.memory_space<hbm>>
        tpu.enqueue_indirect_dma source(%dma_start3A_319 : memref<10000x64xf32, #tpu.memory_space<hbm>>) target(%arg10 : memref<128x64xf32, #tpu.memory_space<vmem>>) offsets(%dma_start3A_316 : memref<128xi32, #tpu.memory_space<vmem>>) semaphore(%arg18 : memref<!tpu.dma_semaphore, #tpu.memory_space<semaphore_mem>>)
      } else {
      }
      %add3A_212 = arith.constant 8 : i32
      %add3A_213 = arith.addi %mul3A_54, %add3A_212 : i32
      %add3A_214 = arith.constant 2 : i32
      %add3A_215 = arith.addi %add3A_213, %add3A_214 : i32
      %min3A_216 = arith.constant 79 : i32
      %min3A_217 = arith.minsi %add3A_215, %min3A_216 : i32
      %mul3A_218 = arith.constant 128 : i32
      %mul3A_219 = arith.muli %min3A_217, %mul3A_218 : i32
      %dma_wait3A_220 = tpu.memref_slice %arg8[%mul3A_219] : memref<10240xi32, #tpu.memory_space<vmem>> -> memref<128xi32, #tpu.memory_space<vmem>>
      %dma_wait3A_221 = arith.constant 0 : i32
      %dma_wait3A_222 = arith.constant 0 : i32
      %dma_wait3A_223 = tpu.memref_slice %arg33[%dma_wait3A_221, %dma_wait3A_222] : memref<10240x64xf32, #tpu.memory_space<vmem_shared>> -> memref<10240x64xf32, #tpu.memory_space<vmem_shared>>
      tpu.wait_indirect_dma semaphore(%arg27 : memref<!tpu.dma_semaphore, #tpu.memory_space<semaphore_mem>>) src(%arg11 : memref<128x64xf32, #tpu.memory_space<vmem>>) dst(%dma_wait3A_223 : memref<10240x64xf32, #tpu.memory_space<vmem_shared>>)
      %lt3A_224 = arith.constant 9 : i32
      %lt3A_225 = arith.cmpi slt, %scan3A_52, %lt3A_224 : i32
      %convert_element_type3A_226 = arith.extui %lt3A_225 : i1 to i32
      %cond3A_227 = arith.constant 0 : i32
      %cond3A_228 = arith.cmpi ne, %convert_element_type3A_226, %cond3A_227 : i32
      scf.if %cond3A_228 {
        %mul3A_314 = arith.constant 128 : i32
        %mul3A_315 = arith.muli %min3A_217, %mul3A_314 : i32
        %dma_start3A_316 = tpu.memref_slice %arg7[%mul3A_315] : memref<10240xi32, #tpu.memory_space<vmem>> -> memref<128xi32, #tpu.memory_space<vmem>>
        %dma_start3A_317 = arith.constant 0 : i32
        %dma_start3A_318 = arith.constant 0 : i32
        %dma_start3A_319 = tpu.memref_slice %arg2[%dma_start3A_317, %dma_start3A_318] : memref<10000x64xf32, #tpu.memory_space<hbm>> -> memref<10000x64xf32, #tpu.memory_space<hbm>>
        tpu.enqueue_indirect_dma source(%dma_start3A_319 : memref<10000x64xf32, #tpu.memory_space<hbm>>) target(%arg11 : memref<128x64xf32, #tpu.memory_space<vmem>>) offsets(%dma_start3A_316 : memref<128xi32, #tpu.memory_space<vmem>>) semaphore(%arg19 : memref<!tpu.dma_semaphore, #tpu.memory_space<semaphore_mem>>)
      } else {
      }
      %add3A_229 = arith.constant 8 : i32
      %add3A_230 = arith.addi %mul3A_54, %add3A_229 : i32
      %add3A_231 = arith.constant 3 : i32
      %add3A_232 = arith.addi %add3A_230, %add3A_231 : i32
      %min3A_233 = arith.constant 79 : i32
      %min3A_234 = arith.minsi %add3A_232, %min3A_233 : i32
      %mul3A_235 = arith.constant 128 : i32
      %mul3A_236 = arith.muli %min3A_234, %mul3A_235 : i32
      %dma_wait3A_237 = tpu.memref_slice %arg8[%mul3A_236] : memref<10240xi32, #tpu.memory_space<vmem>> -> memref<128xi32, #tpu.memory_space<vmem>>
      %dma_wait3A_238 = arith.constant 0 : i32
      %dma_wait3A_239 = arith.constant 0 : i32
      %dma_wait3A_240 = tpu.memref_slice %arg33[%dma_wait3A_238, %dma_wait3A_239] : memref<10240x64xf32, #tpu.memory_space<vmem_shared>> -> memref<10240x64xf32, #tpu.memory_space<vmem_shared>>
      tpu.wait_indirect_dma semaphore(%arg28 : memref<!tpu.dma_semaphore, #tpu.memory_space<semaphore_mem>>) src(%arg12 : memref<128x64xf32, #tpu.memory_space<vmem>>) dst(%dma_wait3A_240 : memref<10240x64xf32, #tpu.memory_space<vmem_shared>>)
      %lt3A_241 = arith.constant 9 : i32
      %lt3A_242 = arith.cmpi slt, %scan3A_52, %lt3A_241 : i32
      %convert_element_type3A_243 = arith.extui %lt3A_242 : i1 to i32
      %cond3A_244 = arith.constant 0 : i32
      %cond3A_245 = arith.cmpi ne, %convert_element_type3A_243, %cond3A_244 : i32
      scf.if %cond3A_245 {
        %mul3A_314 = arith.constant 128 : i32
        %mul3A_315 = arith.muli %min3A_234, %mul3A_314 : i32
        %dma_start3A_316 = tpu.memref_slice %arg7[%mul3A_315] : memref<10240xi32, #tpu.memory_space<vmem>> -> memref<128xi32, #tpu.memory_space<vmem>>
        %dma_start3A_317 = arith.constant 0 : i32
        %dma_start3A_318 = arith.constant 0 : i32
        %dma_start3A_319 = tpu.memref_slice %arg2[%dma_start3A_317, %dma_start3A_318] : memref<10000x64xf32, #tpu.memory_space<hbm>> -> memref<10000x64xf32, #tpu.memory_space<hbm>>
        tpu.enqueue_indirect_dma source(%dma_start3A_319 : memref<10000x64xf32, #tpu.memory_space<hbm>>) target(%arg12 : memref<128x64xf32, #tpu.memory_space<vmem>>) offsets(%dma_start3A_316 : memref<128xi32, #tpu.memory_space<vmem>>) semaphore(%arg20 : memref<!tpu.dma_semaphore, #tpu.memory_space<semaphore_mem>>)
      } else {
      }
      %add3A_246 = arith.constant 8 : i32
      %add3A_247 = arith.addi %mul3A_54, %add3A_246 : i32
      %add3A_248 = arith.constant 4 : i32
      %add3A_249 = arith.addi %add3A_247, %add3A_248 : i32
      %min3A_250 = arith.constant 79 : i32
      %min3A_251 = arith.minsi %add3A_249, %min3A_250 : i32
      %mul3A_252 = arith.constant 128 : i32
      %mul3A_253 = arith.muli %min3A_251, %mul3A_252 : i32
      %dma_wait3A_254 = tpu.memref_slice %arg8[%mul3A_253] : memref<10240xi32, #tpu.memory_space<vmem>> -> memref<128xi32, #tpu.memory_space<vmem>>
      %dma_wait3A_255 = arith.constant 0 : i32
      %dma_wait3A_256 = arith.constant 0 : i32
      %dma_wait3A_257 = tpu.memref_slice %arg33[%dma_wait3A_255, %dma_wait3A_256] : memref<10240x64xf32, #tpu.memory_space<vmem_shared>> -> memref<10240x64xf32, #tpu.memory_space<vmem_shared>>
      tpu.wait_indirect_dma semaphore(%arg29 : memref<!tpu.dma_semaphore, #tpu.memory_space<semaphore_mem>>) src(%arg13 : memref<128x64xf32, #tpu.memory_space<vmem>>) dst(%dma_wait3A_257 : memref<10240x64xf32, #tpu.memory_space<vmem_shared>>)
      %lt3A_258 = arith.constant 9 : i32
      %lt3A_259 = arith.cmpi slt, %scan3A_52, %lt3A_258 : i32
      %convert_element_type3A_260 = arith.extui %lt3A_259 : i1 to i32
      %cond3A_261 = arith.constant 0 : i32
      %cond3A_262 = arith.cmpi ne, %convert_element_type3A_260, %cond3A_261 : i32
      scf.if %cond3A_262 {
        %mul3A_314 = arith.constant 128 : i32
        %mul3A_315 = arith.muli %min3A_251, %mul3A_314 : i32
        %dma_start3A_316 = tpu.memref_slice %arg7[%mul3A_315] : memref<10240xi32, #tpu.memory_space<vmem>> -> memref<128xi32, #tpu.memory_space<vmem>>
        %dma_start3A_317 = arith.constant 0 : i32
        %dma_start3A_318 = arith.constant 0 : i32
        %dma_start3A_319 = tpu.memref_slice %arg2[%dma_start3A_317, %dma_start3A_318] : memref<10000x64xf32, #tpu.memory_space<hbm>> -> memref<10000x64xf32, #tpu.memory_space<hbm>>
        tpu.enqueue_indirect_dma source(%dma_start3A_319 : memref<10000x64xf32, #tpu.memory_space<hbm>>) target(%arg13 : memref<128x64xf32, #tpu.memory_space<vmem>>) offsets(%dma_start3A_316 : memref<128xi32, #tpu.memory_space<vmem>>) semaphore(%arg21 : memref<!tpu.dma_semaphore, #tpu.memory_space<semaphore_mem>>)
      } else {
      }
      %add3A_263 = arith.constant 8 : i32
      %add3A_264 = arith.addi %mul3A_54, %add3A_263 : i32
      %add3A_265 = arith.constant 5 : i32
      %add3A_266 = arith.addi %add3A_264, %add3A_265 : i32
      %min3A_267 = arith.constant 79 : i32
      %min3A_268 = arith.minsi %add3A_266, %min3A_267 : i32
      %mul3A_269 = arith.constant 128 : i32
      %mul3A_270 = arith.muli %min3A_268, %mul3A_269 : i32
      %dma_wait3A_271 = tpu.memref_slice %arg8[%mul3A_270] : memref<10240xi32, #tpu.memory_space<vmem>> -> memref<128xi32, #tpu.memory_space<vmem>>
      %dma_wait3A_272 = arith.constant 0 : i32
      %dma_wait3A_273 = arith.constant 0 : i32
      %dma_wait3A_274 = tpu.memref_slice %arg33[%dma_wait3A_272, %dma_wait3A_273] : memref<10240x64xf32, #tpu.memory_space<vmem_shared>> -> memref<10240x64xf32, #tpu.memory_space<vmem_shared>>
      tpu.wait_indirect_dma semaphore(%arg30 : memref<!tpu.dma_semaphore, #tpu.memory_space<semaphore_mem>>) src(%arg14 : memref<128x64xf32, #tpu.memory_space<vmem>>) dst(%dma_wait3A_274 : memref<10240x64xf32, #tpu.memory_space<vmem_shared>>)
      %lt3A_275 = arith.constant 9 : i32
      %lt3A_276 = arith.cmpi slt, %scan3A_52, %lt3A_275 : i32
      %convert_element_type3A_277 = arith.extui %lt3A_276 : i1 to i32
      %cond3A_278 = arith.constant 0 : i32
      %cond3A_279 = arith.cmpi ne, %convert_element_type3A_277, %cond3A_278 : i32
      scf.if %cond3A_279 {
        %mul3A_314 = arith.constant 128 : i32
        %mul3A_315 = arith.muli %min3A_268, %mul3A_314 : i32
        %dma_start3A_316 = tpu.memref_slice %arg7[%mul3A_315] : memref<10240xi32, #tpu.memory_space<vmem>> -> memref<128xi32, #tpu.memory_space<vmem>>
        %dma_start3A_317 = arith.constant 0 : i32
        %dma_start3A_318 = arith.constant 0 : i32
        %dma_start3A_319 = tpu.memref_slice %arg2[%dma_start3A_317, %dma_start3A_318] : memref<10000x64xf32, #tpu.memory_space<hbm>> -> memref<10000x64xf32, #tpu.memory_space<hbm>>
        tpu.enqueue_indirect_dma source(%dma_start3A_319 : memref<10000x64xf32, #tpu.memory_space<hbm>>) target(%arg14 : memref<128x64xf32, #tpu.memory_space<vmem>>) offsets(%dma_start3A_316 : memref<128xi32, #tpu.memory_space<vmem>>) semaphore(%arg22 : memref<!tpu.dma_semaphore, #tpu.memory_space<semaphore_mem>>)
      } else {
      }
      %add3A_280 = arith.constant 8 : i32
      %add3A_281 = arith.addi %mul3A_54, %add3A_280 : i32
      %add3A_282 = arith.constant 6 : i32
      %add3A_283 = arith.addi %add3A_281, %add3A_282 : i32
      %min3A_284 = arith.constant 79 : i32
      %min3A_285 = arith.minsi %add3A_283, %min3A_284 : i32
      %mul3A_286 = arith.constant 128 : i32
      %mul3A_287 = arith.muli %min3A_285, %mul3A_286 : i32
      %dma_wait3A_288 = tpu.memref_slice %arg8[%mul3A_287] : memref<10240xi32, #tpu.memory_space<vmem>> -> memref<128xi32, #tpu.memory_space<vmem>>
      %dma_wait3A_289 = arith.constant 0 : i32
      %dma_wait3A_290 = arith.constant 0 : i32
      %dma_wait3A_291 = tpu.memref_slice %arg33[%dma_wait3A_289, %dma_wait3A_290] : memref<10240x64xf32, #tpu.memory_space<vmem_shared>> -> memref<10240x64xf32, #tpu.memory_space<vmem_shared>>
      tpu.wait_indirect_dma semaphore(%arg31 : memref<!tpu.dma_semaphore, #tpu.memory_space<semaphore_mem>>) src(%arg15 : memref<128x64xf32, #tpu.memory_space<vmem>>) dst(%dma_wait3A_291 : memref<10240x64xf32, #tpu.memory_space<vmem_shared>>)
      %lt3A_292 = arith.constant 9 : i32
      %lt3A_293 = arith.cmpi slt, %scan3A_52, %lt3A_292 : i32
      %convert_element_type3A_294 = arith.extui %lt3A_293 : i1 to i32
      %cond3A_295 = arith.constant 0 : i32
      %cond3A_296 = arith.cmpi ne, %convert_element_type3A_294, %cond3A_295 : i32
      scf.if %cond3A_296 {
        %mul3A_314 = arith.constant 128 : i32
        %mul3A_315 = arith.muli %min3A_285, %mul3A_314 : i32
        %dma_start3A_316 = tpu.memref_slice %arg7[%mul3A_315] : memref<10240xi32, #tpu.memory_space<vmem>> -> memref<128xi32, #tpu.memory_space<vmem>>
        %dma_start3A_317 = arith.constant 0 : i32
        %dma_start3A_318 = arith.constant 0 : i32
        %dma_start3A_319 = tpu.memref_slice %arg2[%dma_start3A_317, %dma_start3A_318] : memref<10000x64xf32, #tpu.memory_space<hbm>> -> memref<10000x64xf32, #tpu.memory_space<hbm>>
        tpu.enqueue_indirect_dma source(%dma_start3A_319 : memref<10000x64xf32, #tpu.memory_space<hbm>>) target(%arg15 : memref<128x64xf32, #tpu.memory_space<vmem>>) offsets(%dma_start3A_316 : memref<128xi32, #tpu.memory_space<vmem>>) semaphore(%arg23 : memref<!tpu.dma_semaphore, #tpu.memory_space<semaphore_mem>>)
      } else {
      }
      %add3A_297 = arith.constant 8 : i32
      %add3A_298 = arith.addi %mul3A_54, %add3A_297 : i32
      %add3A_299 = arith.constant 7 : i32
      %add3A_300 = arith.addi %add3A_298, %add3A_299 : i32
      %min3A_301 = arith.constant 79 : i32
      %min3A_302 = arith.minsi %add3A_300, %min3A_301 : i32
      %mul3A_303 = arith.constant 128 : i32
      %mul3A_304 = arith.muli %min3A_302, %mul3A_303 : i32
      %dma_wait3A_305 = tpu.memref_slice %arg8[%mul3A_304] : memref<10240xi32, #tpu.memory_space<vmem>> -> memref<128xi32, #tpu.memory_space<vmem>>
      %dma_wait3A_306 = arith.constant 0 : i32
      %dma_wait3A_307 = arith.constant 0 : i32
      %dma_wait3A_308 = tpu.memref_slice %arg33[%dma_wait3A_306, %dma_wait3A_307] : memref<10240x64xf32, #tpu.memory_space<vmem_shared>> -> memref<10240x64xf32, #tpu.memory_space<vmem_shared>>
      tpu.wait_indirect_dma semaphore(%arg32 : memref<!tpu.dma_semaphore, #tpu.memory_space<semaphore_mem>>) src(%arg16 : memref<128x64xf32, #tpu.memory_space<vmem>>) dst(%dma_wait3A_308 : memref<10240x64xf32, #tpu.memory_space<vmem_shared>>)
      %lt3A_309 = arith.constant 9 : i32
      %lt3A_310 = arith.cmpi slt, %scan3A_52, %lt3A_309 : i32
      %convert_element_type3A_311 = arith.extui %lt3A_310 : i1 to i32
      %cond3A_312 = arith.constant 0 : i32
      %cond3A_313 = arith.cmpi ne, %convert_element_type3A_311, %cond3A_312 : i32
      scf.if %cond3A_313 {
        %mul3A_314 = arith.constant 128 : i32
        %mul3A_315 = arith.muli %min3A_302, %mul3A_314 : i32
        %dma_start3A_316 = tpu.memref_slice %arg7[%mul3A_315] : memref<10240xi32, #tpu.memory_space<vmem>> -> memref<128xi32, #tpu.memory_space<vmem>>
        %dma_start3A_317 = arith.constant 0 : i32
        %dma_start3A_318 = arith.constant 0 : i32
        %dma_start3A_319 = tpu.memref_slice %arg2[%dma_start3A_317, %dma_start3A_318] : memref<10000x64xf32, #tpu.memory_space<hbm>> -> memref<10000x64xf32, #tpu.memory_space<hbm>>
        tpu.enqueue_indirect_dma source(%dma_start3A_319 : memref<10000x64xf32, #tpu.memory_space<hbm>>) target(%arg16 : memref<128x64xf32, #tpu.memory_space<vmem>>) offsets(%dma_start3A_316 : memref<128xi32, #tpu.memory_space<vmem>>) semaphore(%arg24 : memref<!tpu.dma_semaphore, #tpu.memory_space<semaphore_mem>>)
      } else {
      }
    }
    %scan3A_50 = arith.constant 10 : i32
    %barrier3A_51 = arith.constant 0 : index
    tpu.barrier barrier_id(%barrier3A_51)
    "tpu.region"() ({
      %run_scoped3A = tpu.sem_alloc : memref<!tpu.dma_semaphore, #tpu.memory_space<semaphore_mem>>
      %dma_start3A_52 = arith.constant 0 : i32
      %dma_start3A_53 = tpu.memref_slice %arg6[%arg0, %mul3A_2, %dma_start3A_52] : memref<2x10000x128xf32, #tpu.memory_space<hbm>> -> memref<1x625x64xf32, #tpu.memory_space<hbm>>
      %dma_start3A_54 = tpu.memref_squeeze %dma_start3A_53 : memref<1x625x64xf32, #tpu.memory_space<hbm>> -> memref<625x64xf32, #tpu.memory_space<hbm>>
      %dma_start3A_55 = arith.constant 0 : i32
      %dma_start3A_56 = tpu.memref_slice %arg33[%mul3A_2, %dma_start3A_55] : memref<10240x64xf32, #tpu.memory_space<vmem_shared>> -> memref<625x64xf32, #tpu.memory_space<vmem_shared>>
      tpu.enqueue_dma source(%dma_start3A_56 : memref<625x64xf32, #tpu.memory_space<vmem_shared>>) target(%dma_start3A_54 : memref<625x64xf32, #tpu.memory_space<hbm>>) target_semaphore(%run_scoped3A : memref<!tpu.dma_semaphore, #tpu.memory_space<semaphore_mem>>)
      %dma_wait3A = arith.constant 0 : i32
      %dma_wait3A_57 = tpu.memref_slice %arg6[%arg0, %mul3A_2, %dma_wait3A] : memref<2x10000x128xf32, #tpu.memory_space<hbm>> -> memref<1x625x64xf32, #tpu.memory_space<hbm>>
      %dma_wait3A_58 = tpu.memref_squeeze %dma_wait3A_57 : memref<1x625x64xf32, #tpu.memory_space<hbm>> -> memref<625x64xf32, #tpu.memory_space<hbm>>
      %dma_wait3A_59 = arith.constant 0 : i32
      %dma_wait3A_60 = tpu.memref_slice %arg33[%mul3A_2, %dma_wait3A_59] : memref<10240x64xf32, #tpu.memory_space<vmem_shared>> -> memref<625x64xf32, #tpu.memory_space<vmem_shared>>
      tpu.wait_dma2 semaphore(%run_scoped3A : memref<!tpu.dma_semaphore, #tpu.memory_space<semaphore_mem>>) src(%dma_wait3A_60 : memref<625x64xf32, #tpu.memory_space<vmem_shared>>) dst(%dma_wait3A_58 : memref<625x64xf32, #tpu.memory_space<hbm>>)
      tpu.yield
    }) : () -> ()
    return
  }
}

module attributes {stable_mosaic.version = 14 : i64} {
  func.func @_proj_body(%arg0: memref<10000x128xf32, #tpu.memory_space<vmem>>, %arg1: memref<64x128xf32, #tpu.memory_space<vmem>>, %arg2: memref<10000x64xf32, #tpu.memory_space<vmem>>) attributes {dimension_semantics = [], scalar_prefetch = 0 : i64, scratch_operands = 0 : i64, tpu.core_type = #tpu.core_type<tc>} {
    %get3A = arith.constant 0 : index
    %get3A_0 = arith.constant 0 : index
    %get3A_1 = vector.load %arg0[%get3A, %get3A_0] : memref<10000x128xf32, #tpu.memory_space<vmem>>, vector<10000x128xf32>
    %get3A_2 = arith.constant 0 : index
    %get3A_3 = arith.constant 0 : index
    %get3A_4 = vector.load %arg1[%get3A_2, %get3A_3] : memref<64x128xf32, #tpu.memory_space<vmem>>, vector<64x128xf32>
    %dot_general3A = arith.constant dense<0.000000e+00> : vector<10000x64xf32>
    %dot_general3A_5 = tpu.matmul %get3A_1, %get3A_4, %dot_general3A {dimension_numbers = #tpu.dot_dimension_numbers<[1], [1], [0], [0], [0, 0, 1, 0], [], []>, transpose_lhs_hint = false} : vector<10000x128xf32>, vector<64x128xf32>, vector<10000x64xf32> -> vector<10000x64xf32>
    %swap3A = arith.constant 0 : index
    %swap3A_6 = arith.constant 0 : index
    %swap3A_7 = vector.load %arg2[%swap3A, %swap3A_6] : memref<10000x64xf32, #tpu.memory_space<vmem>>, vector<10000x64xf32>
    tpu.vector_store %arg2[%swap3A, %swap3A_6], %dot_general3A_5 {strides = array<i32>} : memref<10000x64xf32, #tpu.memory_space<vmem>>, vector<10000x64xf32>,
    return
  }
}

module attributes {stable_mosaic.version = 14 : i64} {
  func.func @_stage2_body(%arg0: memref<10000x64xf32, #tpu.memory_space<vmem>>, %arg1: memref<2x10000x128xf32, #tpu.memory_space<vmem>>, %arg2: memref<1x64xf32, #tpu.memory_space<vmem>>, %arg3: memref<64x64xf32, #tpu.memory_space<vmem>>, %arg4: memref<1x64xf32, #tpu.memory_space<vmem>>, %arg5: memref<64x64xf32, #tpu.memory_space<vmem>>, %arg6: memref<10000x64xf32, #tpu.memory_space<vmem>>) attributes {dimension_semantics = [], scalar_prefetch = 0 : i64, scratch_operands = 0 : i64, tpu.core_type = #tpu.core_type<tc>} {
    %get3A = arith.constant 0 : index
    %get3A_0 = arith.constant 0 : index
    %get3A_1 = arith.constant 0 : index
    %get3A_2 = vector.load %arg1[%get3A, %get3A_0, %get3A_1] : memref<2x10000x128xf32, #tpu.memory_space<vmem>>, vector<1x10000x64xf32>
    %get3A_3 = vector.shape_cast %get3A_2 : vector<1x10000x64xf32> to vector<10000x64xf32>
    %get3A_4 = arith.constant 1 : index
    %get3A_5 = arith.constant 0 : index
    %get3A_6 = arith.constant 0 : index
    %get3A_7 = vector.load %arg1[%get3A_4, %get3A_5, %get3A_6] : memref<2x10000x128xf32, #tpu.memory_space<vmem>>, vector<1x10000x64xf32>
    %get3A_8 = vector.shape_cast %get3A_7 : vector<1x10000x64xf32> to vector<10000x64xf32>
    %get3A_9 = arith.constant 0 : index
    %get3A_10 = arith.constant 0 : index
    %get3A_11 = vector.load %arg0[%get3A_9, %get3A_10] : memref<10000x64xf32, #tpu.memory_space<vmem>>, vector<10000x64xf32>
    %add3A = arith.addf %get3A_11, %get3A_3 : vector<10000x64xf32>
    %add3A_12 = arith.addf %add3A, %get3A_8 : vector<10000x64xf32>
    %get3A_13 = arith.constant 0 : index
    %get3A_14 = arith.constant 0 : index
    %get3A_15 = vector.load %arg2[%get3A_13, %get3A_14] : memref<1x64xf32, #tpu.memory_space<vmem>>, vector<1x64xf32>
    %add3A_16 = vector.broadcast %get3A_15 : vector<1x64xf32> to vector<10000x64xf32>
    %add3A_17 = arith.addf %add3A_12, %add3A_16 : vector<10000x64xf32>
    %max3A = arith.constant 0.000000e+00 : f32
    %max3A_18 = vector.broadcast %max3A : f32 to vector<10000x64xf32>
    %max3A_19 = arith.maximumf %add3A_17, %max3A_18 : vector<10000x64xf32>
    %get3A_20 = arith.constant 0 : index
    %get3A_21 = arith.constant 0 : index
    %get3A_22 = vector.load %arg3[%get3A_20, %get3A_21] : memref<64x64xf32, #tpu.memory_space<vmem>>, vector<64x64xf32>
    %dot_general3A = arith.constant dense<0.000000e+00> : vector<10000x64xf32>
    %dot_general3A_23 = tpu.matmul %max3A_19, %get3A_22, %dot_general3A {dimension_numbers = #tpu.dot_dimension_numbers<[1], [1], [0], [0], [0, 0, 1, 0], [], []>, transpose_lhs_hint = false} : vector<10000x64xf32>, vector<64x64xf32>, vector<10000x64xf32> -> vector<10000x64xf32>
    %get3A_24 = arith.constant 0 : index
    %get3A_25 = arith.constant 0 : index
    %get3A_26 = vector.load %arg4[%get3A_24, %get3A_25] : memref<1x64xf32, #tpu.memory_space<vmem>>, vector<1x64xf32>
    %add3A_27 = vector.broadcast %get3A_26 : vector<1x64xf32> to vector<10000x64xf32>
    %add3A_28 = arith.addf %dot_general3A_23, %add3A_27 : vector<10000x64xf32>
    %max3A_29 = arith.constant 0.000000e+00 : f32
    %max3A_30 = vector.broadcast %max3A_29 : f32 to vector<10000x64xf32>
    %max3A_31 = arith.maximumf %add3A_28, %max3A_30 : vector<10000x64xf32>
    %get3A_32 = arith.constant 0 : index
    %get3A_33 = arith.constant 0 : index
    %get3A_34 = vector.load %arg5[%get3A_32, %get3A_33] : memref<64x64xf32, #tpu.memory_space<vmem>>, vector<64x64xf32>
    %dot_general3A_35 = arith.constant dense<0.000000e+00> : vector<10000x64xf32>
    %dot_general3A_36 = tpu.matmul %max3A_31, %get3A_34, %dot_general3A_35 {dimension_numbers = #tpu.dot_dimension_numbers<[1], [1], [0], [0], [0, 0, 1, 0], [], []>, transpose_lhs_hint = false} : vector<10000x64xf32>, vector<64x64xf32>, vector<10000x64xf32> -> vector<10000x64xf32>
    %swap3A = arith.constant 0 : index
    %swap3A_37 = arith.constant 0 : index
    %swap3A_38 = vector.load %arg6[%swap3A, %swap3A_37] : memref<10000x64xf32, #tpu.memory_space<vmem>>, vector<10000x64xf32>
    tpu.vector_store %arg6[%swap3A, %swap3A_37], %dot_general3A_36 {strides = array<i32>} : memref<10000x64xf32, #tpu.memory_space<vmem>>, vector<10000x64xf32>,
    return
  }
}

module attributes {stable_mosaic.version = 14 : i64} {
  func.func @_stage3_body(%arg0: memref<10000x64xf32, #tpu.memory_space<vmem>>, %arg1: memref<2x10000x128xf32, #tpu.memory_space<vmem>>, %arg2: memref<1x64xf32, #tpu.memory_space<vmem>>, %arg3: memref<64x64xf32, #tpu.memory_space<vmem>>, %arg4: memref<1x64xf32, #tpu.memory_space<vmem>>, %arg5: memref<1x10000xi32, #tpu.memory_space<vmem>>, %arg6: memref<2x64xf32, #tpu.memory_space<vmem>>, %arg7: memref<1x2xf32, #tpu.memory_space<vmem>>, %arg8: memref<16x2xf32, #tpu.memory_space<vmem>>) attributes {dimension_semantics = [], scalar_prefetch = 0 : i64, scratch_operands = 0 : i64, tpu.core_type = #tpu.core_type<tc>} {
    %get3A = arith.constant 0 : index
    %get3A_0 = arith.constant 0 : index
    %get3A_1 = arith.constant 0 : index
    %get3A_2 = vector.load %arg1[%get3A, %get3A_0, %get3A_1] : memref<2x10000x128xf32, #tpu.memory_space<vmem>>, vector<1x10000x64xf32>
    %get3A_3 = vector.shape_cast %get3A_2 : vector<1x10000x64xf32> to vector<10000x64xf32>
    %get3A_4 = arith.constant 1 : index
    %get3A_5 = arith.constant 0 : index
    %get3A_6 = arith.constant 0 : index
    %get3A_7 = vector.load %arg1[%get3A_4, %get3A_5, %get3A_6] : memref<2x10000x128xf32, #tpu.memory_space<vmem>>, vector<1x10000x64xf32>
    %get3A_8 = vector.shape_cast %get3A_7 : vector<1x10000x64xf32> to vector<10000x64xf32>
    %get3A_9 = arith.constant 0 : index
    %get3A_10 = arith.constant 0 : index
    %get3A_11 = vector.load %arg0[%get3A_9, %get3A_10] : memref<10000x64xf32, #tpu.memory_space<vmem>>, vector<10000x64xf32>
    %add3A = arith.addf %get3A_11, %get3A_3 : vector<10000x64xf32>
    %add3A_12 = arith.addf %add3A, %get3A_8 : vector<10000x64xf32>
    %get3A_13 = arith.constant 0 : index
    %get3A_14 = arith.constant 0 : index
    %get3A_15 = vector.load %arg2[%get3A_13, %get3A_14] : memref<1x64xf32, #tpu.memory_space<vmem>>, vector<1x64xf32>
    %add3A_16 = vector.broadcast %get3A_15 : vector<1x64xf32> to vector<10000x64xf32>
    %add3A_17 = arith.addf %add3A_12, %add3A_16 : vector<10000x64xf32>
    %max3A = arith.constant 0.000000e+00 : f32
    %max3A_18 = vector.broadcast %max3A : f32 to vector<10000x64xf32>
    %max3A_19 = arith.maximumf %add3A_17, %max3A_18 : vector<10000x64xf32>
    %get3A_20 = arith.constant 0 : index
    %get3A_21 = arith.constant 0 : index
    %get3A_22 = vector.load %arg3[%get3A_20, %get3A_21] : memref<64x64xf32, #tpu.memory_space<vmem>>, vector<64x64xf32>
    %dot_general3A = arith.constant dense<0.000000e+00> : vector<10000x64xf32>
    %dot_general3A_23 = tpu.matmul %max3A_19, %get3A_22, %dot_general3A {dimension_numbers = #tpu.dot_dimension_numbers<[1], [1], [0], [0], [0, 0, 1, 0], [], []>, transpose_lhs_hint = false} : vector<10000x64xf32>, vector<64x64xf32>, vector<10000x64xf32> -> vector<10000x64xf32>
    %get3A_24 = arith.constant 0 : index
    %get3A_25 = arith.constant 0 : index
    %get3A_26 = vector.load %arg4[%get3A_24, %get3A_25] : memref<1x64xf32, #tpu.memory_space<vmem>>, vector<1x64xf32>
    %add3A_27 = vector.broadcast %get3A_26 : vector<1x64xf32> to vector<10000x64xf32>
    %add3A_28 = arith.addf %dot_general3A_23, %add3A_27 : vector<10000x64xf32>
    %max3A_29 = arith.constant 0.000000e+00 : f32
    %max3A_30 = vector.broadcast %max3A_29 : f32 to vector<10000x64xf32>
    %max3A_31 = arith.maximumf %add3A_28, %max3A_30 : vector<10000x64xf32>
    %get3A_32 = arith.constant 0 : index
    %get3A_33 = arith.constant 0 : index
    %get3A_34 = vector.load %arg5[%get3A_32, %get3A_33] : memref<1x10000xi32, #tpu.memory_space<vmem>>, vector<1x10000xi32>
    %iota3A = tpu.iota {dimensions = array<i32: 0>} : vector<16x10000xi32>
    %eq3A = vector.broadcast %get3A_34 : vector<1x10000xi32> to vector<16x10000xi32>
    %eq3A_35 = arith.cmpi eq, %eq3A, %iota3A : vector<16x10000xi32>
    %convert_element_type3A = arith.extui %eq3A_35 : vector<16x10000xi1> to vector<16x10000xi32>
    %convert_element_type3A_36 = arith.sitofp %convert_element_type3A : vector<16x10000xi32> to vector<16x10000xf32>
    %dot_general3A_37 = arith.constant dense<0.000000e+00> : vector<16x64xf32>
    %dot_general3A_38 = tpu.matmul %convert_element_type3A_36, %max3A_31, %dot_general3A_37 {dimension_numbers = #tpu.dot_dimension_numbers<[1], [0], [0], [1], [0, 0, 1, 1], [], []>, transpose_lhs_hint = false} : vector<16x10000xf32>, vector<10000x64xf32>, vector<16x64xf32> -> vector<16x64xf32>
    %reduce_sum3A = arith.constant dense<0.000000e+00> : vector<16xf32>
    %reduce_sum3A_39 = vector.multi_reduction <add>, %convert_element_type3A_36, %reduce_sum3A [1] : vector<16x10000xf32> to vector<16xf32>
    %broadcast_in_dim3A = vector.shape_cast %reduce_sum3A_39 : vector<16xf32> to vector<16x1xf32>
    %max3A_40 = arith.constant 1.000000e+00 : f32
    %max3A_41 = vector.broadcast %max3A_40 : f32 to vector<16x1xf32>
    %max3A_42 = arith.maximumf %broadcast_in_dim3A, %max3A_41 : vector<16x1xf32>
    %div3A = vector.broadcast %max3A_42 : vector<16x1xf32> to vector<16x64xf32>
    %div3A_43 = arith.divf %dot_general3A_38, %div3A : vector<16x64xf32>
    %get3A_44 = arith.constant 0 : index
    %get3A_45 = arith.constant 0 : index
    %get3A_46 = vector.load %arg6[%get3A_44, %get3A_45] : memref<2x64xf32, #tpu.memory_space<vmem>>, vector<2x64xf32>
    %dot_general3A_47 = arith.constant dense<0.000000e+00> : vector<16x2xf32>
    %dot_general3A_48 = tpu.matmul %div3A_43, %get3A_46, %dot_general3A_47 {dimension_numbers = #tpu.dot_dimension_numbers<[1], [1], [0], [0], [0, 0, 1, 0], [], []>, transpose_lhs_hint = false} : vector<16x64xf32>, vector<2x64xf32>, vector<16x2xf32> -> vector<16x2xf32>
    %get3A_49 = arith.constant 0 : index
    %get3A_50 = arith.constant 0 : index
    %get3A_51 = vector.load %arg7[%get3A_49, %get3A_50] : memref<1x2xf32, #tpu.memory_space<vmem>>, vector<1x2xf32>
    %add3A_52 = vector.broadcast %get3A_51 : vector<1x2xf32> to vector<16x2xf32>
    %add3A_53 = arith.addf %dot_general3A_48, %add3A_52 : vector<16x2xf32>
    %swap3A = arith.constant 0 : index
    %swap3A_54 = arith.constant 0 : index
    %swap3A_55 = vector.load %arg8[%swap3A, %swap3A_54] : memref<16x2xf32, #tpu.memory_space<vmem>>, vector<16x2xf32>
    tpu.vector_store %arg8[%swap3A, %swap3A_54], %add3A_53 {strides = array<i32>} : memref<16x2xf32, #tpu.memory_space<vmem>>, vector<16x2xf32>,
    return
  }
}

</mosaic_0001>

<sc_bundles>
// kernel: kernel.10.cloned.1.call-start
scs
__scs_entry_jumppad:
0x0: {  	(pc) =	sbr.rel $0x88, $3  }
0x1: {  	(tag) =	ssettag $0x0;
	lr =	simm.s32 $0x1  }
0x2: {  	[smem:$0x3F94] =	sst lr;
	_ =	strace $0xD0000000  }
0x3: {  	_ = 	snop  }
0x4: {  	_ = 	snop  }
0x5: {  	_ = 	snop  }
0x6: {  	_ = 	snop  }
0x7: {  	_ = 	snop  }
__scs_overlays_trampoline_lowered:
0x8: {  	[smem:$0x3FA3] =	sst s0  }
0x9: {  	[smem:$0x3FA4] =	sst s1  }
0xa: {  	[smem:$0x3FA5] =	sst s2  }
0xb: {  	[smem:$0x3FA6] =	sst s3  }
0xc: {  	[smem:$0x3FA7] =	sst s4  }
0xd: {  	[smem:$0x3FA8] =	sst s5  }
0xe: {  	[smem:$0x3FA9] =	sst s6  }
0xf: {  	[smem:$0x3FAA] =	sst s7  }
0x10: {  	[smem:$0x3FAB] =	sst s8  }
0x11: {  	[smem:$0x3FAC] =	sst s9;
	s0 =	simm.s32 @!p0 $0x0  }
0x12: {  	s1 =	sld [smem:$0x3F92];
	s0 =	simm.s32 @p0 $0x1  }
0x13: {  	[smem:$0x3FAD] =	sst s0;
	s0 =	simm.s32 @!p1 $0x0  }
0x14: {  	s2 =	sld [smem:$0x3F91];
	s0 =	simm.s32 @p1 $0x1  }
0x15: {  	[smem:$0x3FAE] =	sst s0;
	s0 =	simm.s32 @!p2 $0x0  }
0x16: {  	s3 =	sld [smem:$0x3FDB];
	s0 =	simm.s32 @p2 $0x1  }
0x17: {  	s4 =	simm.s32 $0x1BF5;
	[smem:$0x3FB0] =	sst s0  }
0x18: {  	s0 =	sld [smem:$0x3F93];
	_ =	swait.ge [sflag:s4], $0x0  }
0x19: {  	s7 =	sld [smem:$0x3F94]  }
0x1a: {  	s8 =	sadd.s32 $0xFFFFE003, lr  }
0x1b: {  	s9 =	sadd.s32 $0xFFFFFEF7, lr;
	s5 =	simm.s32 $0xFFFFFFFF;
	p2 =	slt.u32 s8, $0xFFFFF086  }
0x1c: {  	p1 =	slt.u32 s9, $0xF7A;
	s5 =	simm.s32 @!p2 $0x0  }
0x1d: {  	s5 =	simm.s32 @p1 $0x1;
	p0 =	seq.s32 s7, s2  }
0x1e: {  	s7 =	smul.u32 @!p0 $0xF7A, s2;
	p2 =	seq.s32 @!p0 s5, $0x0  }
0x1f: {  	s9 =	smul.u32 $0xF7A, s1;
	s8 =	simm.s32 @!p0 $0x1BF5;
	p2 =	por !p2, p0  }
0x20: {  	[sflag:s8] =	ssyncset.s32 @!p0 $0xFFFFF086;
	s6 =	sadd.s32 @!p0 s3, s7;
	s7 =	simm.s32 @!p0 $0x108  }
0x21: {  	s3 =	sadd.s32 s3, s9;
	s6 =	sadd.s32 @!p0 $0x88, s6;
	s7 =	simm.s32 @p2 $0x1082  }
0x22: {  	[simem:s7], [sflag:s8] =	dma.local @!p0 [hbm:s6], $0xF7A  }
0x23: {  	s9 =	sor.u32 $0xD0000000, s2;
	s6 =	simm.s32 $0x108;
	_ =	swait.ge @!p0 [sflag:s8], $0x0  }
0x24: {  	s3 =	sadd.s32 $0x88, s3;
	s6 =	simm.s32 @!p1 $0x1082;
	[sflag:s4] =	ssyncset.s32 $0xFFFFF086  }
0x25: {  	[simem:s6], [sflag:s4] =	dma.local [hbm:s3], $0xF7A  }
0x26: {  	[smem:$0x3F94] =	sst s1;
	(tag) =	ssettag s2;
	_ =	strace s9  }
0x27: {  	s1 =	sld [smem:$0x3FA4]  }
0x28: {  	s2 =	sld [smem:$0x3FA5]  }
0x29: {  	s4 =	sld [smem:$0x3FA7]  }
0x2a: {  	p0 =	seq.s32 s5, $0x0;
	s5 =	sld [smem:$0x3FA8]  }
0x2b: {  	s6 =	sld [smem:$0x3FA9]  }
0x2c: {  	s7 =	sld [smem:$0x3FAA]  }
0x2d: {  	s3 =	simm.s32 $0x108;
	s8 =	sld [smem:$0x3FAB]  }
0x2e: {  	s3 =	simm.s32 @!p0 $0x1082;
	s9 =	sld [smem:$0x3FAC]  }
0x2f: {  	lr =	sadd.s32 s0, s3;
	s0 =	sld [smem:$0x3FA3]  }
0x30: {  	s3 =	sld [smem:$0x3FA6]  }
0x31: {  	[smem:$0x3FAF] =	sst s10  }
0x32: {  	s10 =	sld [smem:$0x3FAD];
	_ =	sdelay $0x3  }
0x33: {  	p0 =	seq.s32 s10, $0x1;
	s10 =	sld [smem:$0x3FAF];
	_ =	sdelay $0x3  }
0x34: {  	[smem:$0x3FAF] =	sst s10  }
0x35: {  	s10 =	sld [smem:$0x3FAE];
	_ =	sdelay $0x3  }
0x36: {  	p1 =	seq.s32 s10, $0x1;
	s10 =	sld [smem:$0x3FAF];
	_ =	sdelay $0x3  }
0x37: {  	[smem:$0x3FAF] =	sst s10  }
0x38: {  	s10 =	sld [smem:$0x3FB0]  }
0x39: {  	_ = 	snop;
	(pc) =	sbr.ind lr, $3  }
0x3a: {  	_ = 	snop  }
0x3b: {  	_ = 	snop  }
0x3c: {  	p2 =	seq.s32 s10, $0x1;
	s10 =	sld [smem:$0x3FAF]  }
0x3d: {  	_ =	shalt  }
0x3e: {  	_ =	shalt  }
0x3f: {  	_ =	shalt  }
0x40: {  	_ =	shalt  }
0x41: {  	_ =	shalt  }
0x42: {  	_ =	shalt  }
0x43: {  	_ =	shalt  }
0x44: {  	_ =	shalt  }
0x45: {  	_ =	shalt  }
0x46: {  	_ =	shalt  }
0x47: {  	_ =	shalt  }
0x48: {  	_ =	shalt  }
0x49: {  	_ =	shalt  }
0x4a: {  	_ =	shalt  }
0x4b: {  	_ =	shalt  }
0x4c: {  	_ =	shalt  }
0x4d: {  	_ =	shalt  }
0x4e: {  	_ =	shalt  }
0x4f: {  	_ =	shalt  }
0x50: {  	_ =	shalt  }
0x51: {  	_ =	shalt  }
0x52: {  	_ =	shalt  }
0x53: {  	_ =	shalt  }
0x54: {  	_ =	shalt  }
0x55: {  	_ =	shalt  }
0x56: {  	_ =	shalt  }
0x57: {  	_ =	shalt  }
0x58: {  	_ =	shalt  }
0x59: {  	_ =	shalt  }
0x5a: {  	_ =	shalt  }
0x5b: {  	_ =	shalt  }
0x5c: {  	_ =	shalt  }
0x5d: {  	_ =	shalt  }
0x5e: {  	_ =	shalt  }
0x5f: {  	_ =	shalt  }
0x60: {  	_ =	shalt  }
0x61: {  	_ =	shalt  }
0x62: {  	_ =	shalt  }
0x63: {  	_ =	shalt  }
0x64: {  	_ =	shalt  }
0x65: {  	_ =	shalt  }
0x66: {  	_ =	shalt  }
0x67: {  	_ =	shalt  }
0x68: {  	_ =	shalt  }
0x69: {  	_ =	shalt  }
0x6a: {  	_ =	shalt  }
0x6b: {  	_ =	shalt  }
0x6c: {  	_ =	shalt  }
0x6d: {  	_ =	shalt  }
0x6e: {  	_ =	shalt  }
0x6f: {  	_ =	shalt  }
0x70: {  	_ =	shalt  }
0x71: {  	_ =	shalt  }
0x72: {  	_ =	shalt  }
0x73: {  	_ =	shalt  }
0x74: {  	_ =	shalt  }
0x75: {  	_ =	shalt  }
0x76: {  	_ =	shalt  }
0x77: {  	_ =	shalt  }
0x78: {  	_ =	shalt  }
0x79: {  	_ =	shalt  }
0x7a: {  	_ =	shalt  }
0x7b: {  	_ =	shalt  }
0x7c: {  	_ =	shalt  }
0x7d: {  	_ =	shalt  }
0x7e: {  	_ =	shalt  }
0x7f: {  	_ =	shalt  }
0x80: {  	_ =	shalt  }
0x81: {  	_ =	shalt  }
0x82: {  	_ =	shalt  }
0x83: {  	_ =	shalt  }
0x84: {  	_ =	shalt  }
0x85: {  	_ =	shalt  }
0x86: {  	_ =	shalt  }
0x87: {  	_ =	shalt  }
.Lfunc_end0:
.L_simem_size_0:
called_computation.1_lowered:
.L_overlay_start_0:
0x88: {  	s2 =	sld [smem:$0x3FD9]  }
0x89: {  	s3 =	sld [smem:$0x3FFE];
	_ =	sdelay $0x1  }
0x8a: {  	s1 =	srdreg.scid  }
0x8b: {  	s0 =	sand.u32 $0x1, s1  }
0x8c: {  	s16 =	sshll.u32 s0, $0xA;
	s2 =	sadd.s32 s3, s2  }
0x8d: {  	s2 =	sadd.s32 s2, s16  }
0x8e: {  	[smem:$0x3FBB] =	sst s2  }
0x8f: {  	_ = 	snop  }
0x90: {  	(tm) =	ssettm $0x1  }
0x91: {  	s17 =	sld [smem:$0x3FFB];
	_ =	sdelay $0x3  }
0x92: {  	_ =	strace s17  }
0x93: {  	s2 =	sld [smem:$0x3FFC];
	_ =	sdelay $0x3  }
0x94: {  	_ =	strace s2  }
0x95: {  	s2 =	sld [smem:$0x3FFD];
	_ =	sdelay $0x3  }
0x96: {  	_ =	strace s2  }
0x97: {  	_ =	strace $0x8FFFFFFF  }
0x98: {  	s18 =	sld [smem:$0x3FDB];
	_ =	sdelay $0x1  }
0x99: {  	s19 =	simm.s32 $_scs_section_size  }
0x9a: {  	s4 =	simm.s32 $_size__tile_overlayer_lowered;
	s5 =	simm.s32 $_tile_overlayer_lowered  }
0x9b: {  	s22 =	simm.s32 $0x1BFF;
	s21 =	sshll.u32 s5, $0x1;
	s2 =	sadd.s32 s19, s18  }
0x9c: {  	s6 =	simm.s32 $0x0;
	s20 =	sshll.u32 s4, $0x1;
	s4 =	sadd.s32 s21, s2  }
0x9d: {  	[timem:s6], [sflag:s22] =	dma.local [hbm:s4], s20  }
0x9e: {  	_ =	swait.ge [sflag:s22], s20  }
0x9f: {  	s3 =	ssub.s32 $0x0, s20;
	[sflag:s22] =	ssyncset.done $0x0  }
0xa0: {  	[sflag:s22] =	ssyncadd.s32 s3;
	_ =	sdelay $0x1  }
0xa1: {  	s23 =	simm.s32 $0x1B8B  }
0xa2: {  	_ =	swait.ge [sflag:s23], $0x1  }
0xa3: {  	[sflag:s23] =	ssyncset.done $0x0  }
0xa4: {  	s25 =	simm.s32 $0x1B8E;
	s24 =	sld [smem:$0x3FFE];
	[sflag:s23] =	ssyncadd.s32 $0xFFFFFFFF  }
0xa5: {  	s26 =	simm.s32 $execute0_lowered;
	[smem:$0x3FD2] =	sst s25  }
0xa6: {  	s4 =	sshll.u32 s26, $0x1;
	_ =	strace $0x80000049;
	[dreg:$0x1] =	wrdreg $0xFFFFFFFF  }
0xa7: {  	s28 =	simm.s32 $_size_execute0_lowered;
	s2 =	sadd.s32 s2, s4;
	[dreg:$0x0] =	wrdreg $0x0  }
0xa8: {  	s4 =	sshll.u32 s28, $0x1;
	[dreg:$0x2] =	wrdreg s2  }
0xa9: {  	[dreg:$0x3] =	wrdreg s4  }
0xaa: {  	[dreg:$0x4] =	wrdreg $0xC0  }
0xab: {  	_ =	task [dreg:s6], $0x5FFFF  }
0xac: {  	[dreg:$0x1] =	wrdreg $0xFFFFFFFF  }
0xad: {  	[dreg:$0x0] =	wrdreg $0x60  }
0xae: {  	[dreg:$0x2] =	wrdreg s24  }
0xaf: {  	[dreg:$0x3] =	wrdreg $0x150000  }
0xb0: {  	[dreg:$0x4] =	wrdreg $0x9  }
0xb1: {  	_ =	task.clear_ibuf [dreg:s6], $0x5FFFF;
	_ =	strace $0x90000049  }
0xb2: {  	s29 =	simm.s32 $0x9;
	_ =	strace $0x8000004B  }
0xb3: {  	_ =	swait.ge [sflag:s29], $0x1  }
0xb4: {  	[sflag:s29] =	ssyncadd.s32 $0xFFFFFFFF  }
0xb5: {  	_ =	strace $0x9000004B  }
0xb6: {  	_ =	sfence  }
0xb7: {  	s30 =	sld [smem:$0x0];
	_ =	sdelay $0x2  }
0xb8: {  	s31 =	sshll.u32 s1, $0xD;
	s1 =	sshrl.u32 s1, $0x2  }
0xb9: {  	s3 =	sand.u32 $0x4000, s31;
	s1 =	sadd.s32 s1, s30  }
0xba: {  	s0 =	sor.u32 s3, s0;
	s1 =	sshll.u32 s1, $0x11  }
0xbb: {  	s0 =	sor.u32 s1, s0  }
0xbc: {  	s0 =	sadd.s32 $0x8F2B, s0  }
0xbd: {  	[sflag:s0] =	ssyncadd.remote.s32 $0x1  }
0xbe: {  	_ =	sfence.sel $0xFFFF  }
0xbf: {  	[dreg:$0x0] =	wrdreg $0xFFFFFFFF;
	(pc) =	sbr.abs _section_cstart, $3  }
0xc0: {  	[dreg:$0x1] =	wrdreg $0xFFFFFFFF  }
0xc1: {  	_ =	task.clear_ibuf [dreg:s6], $0x2FFFF;
	_ =	strace $0x9FFFFFFF  }
0xc2: {  	(tm) =	ssettm $0x7FFFFFFF  }
0xc3: {  	_ =	shalt  }
tec
execute0_lowered:
.L_overlay_start_1:
0x0: {  	(tag) =	ssettag $0x1  }
0x1: {  	s0 =	srdreg.scid  }
0x2: {  	s9 =	stileid.u32;
	s3 =	rddreg [dreg:$0x0]  }
0x3: {  	s2 =	rddreg [dreg:$0x1];
	s4 =	simm.s32 $0x0;
	s12 =	simm.s32 $0x11  }
0x4: {  	s14 =	simm.s32 $0x80;
	s15 =	simm.s32 $0x5000;
	s16 =	simm.s32 $0x7000  }
0x5: {  	s18 =	simm.s32 $0x9000;
	s20 =	simm.s32 $0xB000;
	s29 =	simm.s32 $0x13000  }
0x6: {  	s30 =	simm.s32 $0x1;
	s31 =	simm.s32 $0x2;
	s11 =	simm.s32 $0x5  }
0x7: {  	s17 =	simm.s32 $0x6;
	s19 =	simm.s32 $0x7;
	s28 =	simm.s32 $0xB  }
0x8: {  	s0 =	sand.u32 $0x1, s0;
	s5 =	smul.u32 $0x9C40, s9;
	[smem:$0x7FF] =	sst s4  }
0x9: {  	s7 =	smul.u32 $0x13880, s9;
	s4 =	sadd.s32 $0x1E00, s3;
	s26 =	sshll.u32 s9, $0x6  }
0xa: {  	s1 =	sshll.u32 s0, $0x4;
	s6 =	smul.u32 $0x138800, s0;
	_ =	strace $0x8000004A  }
0xb: {  	s0 =	ssub.s32 $0x2, s0;
	s10 =	sor.u32 $0x1C11, s26;
	s26 =	simm.s32 $0x11000  }
0xc: {  	s1 =	sor.u32 s9, s1;
	s8 =	sshrl.u32 s5, $0x3;
	s22 =	sshrl.u32 s0, $0x1  }
0xd: {  	s24 =	sadd.s32 s5, s2;
	s5 =	simm.s32 $0xC;
	s9 =	simm.s32 $0x10  }
0xe: {  	[dreg:$0x8] =	wrdreg s10;
	s1 =	smul.u32 $0x500, s1;
	s6 =	sadd.s32 s7, s6  }
0xf: {  	s21 =	sadd.s32 s8, s3;
	s0 =	ssub.s32 s0, s22;
	s13 =	sshrl.u32 s24, $0x3  }
0x10: {  	s22 =	simm.s32 $0xD000;
	s24 =	simm.s32 $0xF000;
	s7 =	simm.s32 $0xE  }
0x11: {  	s8 =	simm.s32 $0xF;
	s6 =	sshrl.u32 s6, $0x3;
	s25 =	sadd.s32 $0x29800, s21  }
0x12: {  	s0 =	smax.u32 s0, $0x1;
	s21 =	simm.s32 $0x8;
	[dreg:$0x9] =	wrdreg s13  }
0x13: {  	s1 =	sadd.s32 s1, s3;
	s3 =	sadd.s32 s6, s3;
	[dreg:$0x5] =	wrdreg s25  }
.Ltmp0:
0x14: {  	[dreg:$0x7] =	wrdreg s0;
	s23 =	sadd.s32 $0x15800, s1;
	(pc) =	sbr.rel .LBB2_1-.Ltmp0, $4  }
0x15: {  	s0 =	simm.s32 $0x4;
	s1 =	sadd.s32 $0x1F800, s1;
	[dreg:$0x3] =	wrdreg s23  }
0x16: {  	s25 =	simm.s32 $0xA;
	s3 =	sadd.s32 $0x3D200, s3;
	[dreg:$0x4] =	wrdreg s1  }
0x17: {  	s6 =	simm.s32 $0xD;
	[dreg:$0x6] =	wrdreg s3;
	s3 =	simm.s32 $0x0  }
0x18: {  	s1 =	simm.s32 $0x3;
	s23 =	simm.s32 $0x9;
	[dreg:$0xa] =	wrdreg s3  }
.LBB2_4:
0x19: {  	_ =	swait.ge [sflag:s25], $0x2000  }
0x1a: {  	[sflag:s25] =	ssyncset.done $0x0  }
0x1b: {  	[sflag:s25] =	ssyncadd.s32 $0xFFFFE000  }
0x1c: {  	_ =	swait.ge [sflag:s28], $0x2000  }
0x1d: {  	[sflag:s28] =	ssyncset.done $0x0  }
0x1e: {  	[sflag:s28] =	ssyncadd.s32 $0xFFFFE000  }
0x1f: {  	_ =	swait.ge [sflag:s5], $0x2000  }
0x20: {  	[sflag:s5] =	ssyncset.done $0x0  }
0x21: {  	[sflag:s5] =	ssyncadd.s32 $0xFFFFE000  }
0x22: {  	_ =	swait.ge [sflag:s6], $0x2000  }
0x23: {  	[sflag:s6] =	ssyncset.done $0x0  }
0x24: {  	[sflag:s6] =	ssyncadd.s32 $0xFFFFE000  }
0x25: {  	_ =	swait.ge [sflag:s7], $0x2000  }
0x26: {  	[sflag:s7] =	ssyncset.done $0x0  }
0x27: {  	[sflag:s7] =	ssyncadd.s32 $0xFFFFE000  }
0x28: {  	_ =	swait.ge [sflag:s8], $0x2000  }
0x29: {  	[sflag:s8] =	ssyncset.done $0x0  }
0x2a: {  	[sflag:s8] =	ssyncadd.s32 $0xFFFFE000  }
0x2b: {  	_ =	swait.ge [sflag:s9], $0x2000  }
0x2c: {  	[sflag:s9] =	ssyncset.done $0x0  }
0x2d: {  	[sflag:s9] =	ssyncadd.s32 $0xFFFFE000  }
0x2e: {  	[bflag:$0x0] =	sbarrier.arrive $0xFFFF  }
0x2f: {  	s3 =	rddreg [dreg:$0x6]  }
0x30: {  	s12 =	rddreg [dreg:$0x8]  }
0x31: {  	s10 =	rddreg [dreg:$0x9]  }
0x32: {  	[hbm:s3@s9], [sflag:s12] =	dma.strided [spmem:s10@s21], $0x1388, s30, $0x8   }
0x33: {  	s12 =	simm.s32 $0x11  }
0x34: {  	_ =	swait.ge [sflag:s12], $0x1388  }
0x35: {  	s13 =	rddreg [dreg:$0xa]  }
0x36: {  	s10 =	rddreg [dreg:$0x7];
	s13 =	sadd.s32 $0x1, s13  }
0x37: {  	p0 =	sne.s32 s13, s10  }
.Ltmp1:
0x38: {  	_ = 	snop;
	(pc) =	sbr.rel @!p0 .LBB2_5-.Ltmp1, $3  }
0x39: {  	_ =	sdelay $0x1  }
0x3a: {  	[sflag:s12] =	ssyncset.done $0x0  }
0x3b: {  	[sflag:s12] =	ssyncadd.s32 $0xFFFFEC78;
	[dreg:$0xa] =	wrdreg s13  }
.LBB2_1:
0x3c: {  	s3 =	simm.s32 $0x0;
	s10 =	rddreg [dreg:$0x3]  }
0x3d: {  	[tilespmem:s3], [sflag:$0x11] =	stream.linear.gather [hbm4b:s10+s3], $0x2800, $0x38;
	[tilespmem:$0x1F000] =	vst v63  }
0x3e: {  	_ =	swait.ge [sflag:s12], $0x2800  }
0x3f: {  	s13 =	simm.s32 $0x2800;
	[sflag:s12] =	ssyncset.done $0x0  }
0x40: {  	s3 =	simm.s32 $0x0;
	s10 =	rddreg [dreg:$0x4];
	[sflag:s12] =	ssyncadd.s32 $0xFFFFD800  }
0x41: {  	[tilespmem:s13], [sflag:$0x11] =	stream.linear.gather [hbm4b:s10+s3], $0x2800, $0x38;
	[tilespmem:$0x1F000] =	vst v63  }
0x42: {  	_ =	swait.ge [sflag:s12], $0x2800  }
0x43: {  	s10 =	rddreg [dreg:$0x5]  }
0x44: {  	[sflag:s12] =	ssyncset.done $0x0;
	s3 =	rddreg [dreg:$0x8]  }
0x45: {  	s13 =	rddreg [dreg:$0x9];
	[sflag:s12] =	ssyncadd.s32 $0xFFFFD800  }
0x46: {  	[spmem:s13], [sflag:s3] =	dma.local [hbm:s10], $0x1388  }
0x47: {  	_ =	swait.ge [sflag:s12], $0x1388  }
0x48: {  	[sflag:s12] =	ssyncset.done $0x0  }
0x49: {  	[sflag:s12] =	ssyncadd.s32 $0xFFFFEC78  }
0x4a: {  	s13 =	simm.s32 $0x0;
	[bflag:$0x0] =	sbarrier.arrive $0xFFFF  }
0x4b: {  	[tilespmem:s15], [sflag:$0x1] =	stream.indirect.gather [hbm4b:s4+s14], $0x40, s13, s14, $0xb8;
	[tilespmem:$0x1F000] =	vst v63  }
0x4c: {  	_ = 	snop  }
0x4d: {  	[tilespmem:s16], [sflag:$0x2] =	stream.indirect.gather [hbm4b:s4+s14], $0x40, s14, s14, $0xb8;
	[tilespmem:$0x1F000] =	vst v63  }
0x4e: {  	s10 =	simm.s32 $0x100  }
0x4f: {  	[tilespmem:s18], [sflag:$0x3] =	stream.indirect.gather [hbm4b:s4+s14], $0x40, s10, s14, $0xb8;
	[tilespmem:$0x1F000] =	vst v63  }
0x50: {  	s12 =	simm.s32 $0x180  }
0x51: {  	[tilespmem:s20], [sflag:$0x4] =	stream.indirect.gather [hbm4b:s4+s14], $0x40, s12, s14, $0xb8;
	[tilespmem:$0x1F000] =	vst v63  }
0x52: {  	s13 =	simm.s32 $0x200  }
0x53: {  	[tilespmem:s22], [sflag:$0x5] =	stream.indirect.gather [hbm4b:s4+s14], $0x40, s13, s14, $0xb8;
	[tilespmem:$0x1F000] =	vst v63  }
0x54: {  	s10 =	simm.s32 $0x280  }
0x55: {  	[tilespmem:s24], [sflag:$0x6] =	stream.indirect.gather [hbm4b:s4+s14], $0x40, s10, s14, $0xb8;
	[tilespmem:$0x1F000] =	vst v63  }
0x56: {  	s12 =	simm.s32 $0x300  }
0x57: {  	[tilespmem:s26], [sflag:$0x7] =	stream.indirect.gather [hbm4b:s4+s14], $0x40, s12, s14, $0xb8;
	[tilespmem:$0x1F000] =	vst v63  }
0x58: {  	s13 =	simm.s32 $0x380  }
0x59: {  	[tilespmem:s29], [sflag:$0x8] =	stream.indirect.gather [hbm4b:s4+s14], $0x40, s13, s14, $0xb8;
	[tilespmem:$0x1F000] =	vst v63  }
0x5a: {  	s12 =	simm.s32 $0x0;
	s13 =	simm.s32 $0x0  }
.LBB2_2:
0x5b: {  	_ =	swait.ge [sflag:s30], $0x2000  }
0x5c: {  	s10 =	sshra.s32 s12, $0x2;
	[sflag:s30] =	ssyncset.done $0x0  }
0x5d: {  	s3 =	sadd.s32 $0x2800, s10;
	[sflag:s30] =	ssyncadd.s32 $0xFFFFE000  }
0x5e: {  	[spmem:s2] =	stream.indirect.scatter.add.f32 [tilespmem:s15], [sflag:$0x9], $0x40, s3, s14, $0xb8;
	[tilespmem:$0x1F000] =	vst v63  }
0x5f: {  	_ =	swait.ge [sflag:s31], $0x2000  }
0x60: {  	[sflag:s31] =	ssyncset.done $0x0  }
0x61: {  	s3 =	sadd.s32 $0x2880, s10;
	[sflag:s31] =	ssyncadd.s32 $0xFFFFE000  }
0x62: {  	[spmem:s2] =	stream.indirect.scatter.add.f32 [tilespmem:s16], [sflag:$0xA], $0x40, s3, s14, $0xb8;
	[tilespmem:$0x1F000] =	vst v63  }
0x63: {  	_ =	swait.ge [sflag:s1], $0x2000  }
0x64: {  	[sflag:s1] =	ssyncset.done $0x0  }
0x65: {  	s3 =	sadd.s32 $0x2900, s10;
	[sflag:s1] =	ssyncadd.s32 $0xFFFFE000  }
0x66: {  	[spmem:s2] =	stream.indirect.scatter.add.f32 [tilespmem:s18], [sflag:$0xB], $0x40, s3, s14, $0xb8;
	[tilespmem:$0x1F000] =	vst v63  }
0x67: {  	_ =	swait.ge [sflag:s0], $0x2000  }
0x68: {  	[sflag:s0] =	ssyncset.done $0x0  }
0x69: {  	s3 =	sadd.s32 $0x2980, s10;
	[sflag:s0] =	ssyncadd.s32 $0xFFFFE000  }
0x6a: {  	[spmem:s2] =	stream.indirect.scatter.add.f32 [tilespmem:s20], [sflag:$0xC], $0x40, s3, s14, $0xb8;
	[tilespmem:$0x1F000] =	vst v63  }
0x6b: {  	_ =	swait.ge [sflag:s11], $0x2000  }
0x6c: {  	[sflag:s11] =	ssyncset.done $0x0  }
0x6d: {  	s3 =	sadd.s32 $0x2A00, s10;
	[sflag:s11] =	ssyncadd.s32 $0xFFFFE000  }
0x6e: {  	[spmem:s2] =	stream.indirect.scatter.add.f32 [tilespmem:s22], [sflag:$0xD], $0x40, s3, s14, $0xb8;
	[tilespmem:$0x1F000] =	vst v63  }
0x6f: {  	_ =	swait.ge [sflag:s17], $0x2000  }
0x70: {  	[sflag:s17] =	ssyncset.done $0x0  }
0x71: {  	s3 =	sadd.s32 $0x2A80, s10;
	[sflag:s17] =	ssyncadd.s32 $0xFFFFE000  }
0x72: {  	[spmem:s2] =	stream.indirect.scatter.add.f32 [tilespmem:s24], [sflag:$0xE], $0x40, s3, s14, $0xb8;
	[tilespmem:$0x1F000] =	vst v63  }
0x73: {  	_ =	swait.ge [sflag:s19], $0x2000  }
0x74: {  	[sflag:s19] =	ssyncset.done $0x0  }
0x75: {  	s3 =	sadd.s32 $0x2B00, s10;
	[sflag:s19] =	ssyncadd.s32 $0xFFFFE000  }
0x76: {  	[spmem:s2] =	stream.indirect.scatter.add.f32 [tilespmem:s26], [sflag:$0xF], $0x40, s3, s14, $0xb8;
	[tilespmem:$0x1F000] =	vst v63  }
0x77: {  	_ =	swait.ge [sflag:s21], $0x2000  }
0x78: {  	p0 =	seq.s32 s12, $0x9000;
	[sflag:s21] =	ssyncset.done $0x0  }
.Ltmp2:
0x79: {  	s10 =	sadd.s32 $0x2B80, s10;
	[sflag:s21] =	ssyncadd.s32 $0xFFFFE000;
	(pc) =	sbr.rel @p0 .LBB2_4-.Ltmp2, $4  }
0x7a: {  	[spmem:s2] =	stream.indirect.scatter.add.f32 [tilespmem:s29], [sflag:$0x10], $0x40, s10, s14, $0xb8;
	[tilespmem:$0x1F000] =	vst v63  }
0x7b: {  	_ =	swait.ge [sflag:s23], $0x2000  }
0x7c: {  	[sflag:s23] =	ssyncset.done $0x0  }
0x7d: {  	[sflag:s23] =	ssyncadd.s32 $0xFFFFE000  }
0x7e: {  	s3 =	smin.u32 s13, $0x47  }
0x7f: {  	s3 =	sshll.u32 s3, $0x7  }
0x80: {  	s3 =	sadd.s32 $0x400, s3  }
0x81: {  	[tilespmem:s15], [sflag:$0x1] =	stream.indirect.gather [hbm4b:s4+s14], $0x40, s3, s14, $0xb8;
	[tilespmem:$0x1F000] =	vst v63  }
0x82: {  	s10 =	smin.u32 s13, $0x46;
	_ =	swait.ge [sflag:s25], $0x2000  }
0x83: {  	s3 =	sshll.u32 s10, $0x7;
	[sflag:s25] =	ssyncset.done $0x0  }
0x84: {  	s3 =	sadd.s32 $0x480, s3;
	[sflag:s25] =	ssyncadd.s32 $0xFFFFE000  }
0x85: {  	[tilespmem:s16], [sflag:$0x2] =	stream.indirect.gather [hbm4b:s4+s14], $0x40, s3, s14, $0xb8;
	[tilespmem:$0x1F000] =	vst v63  }
0x86: {  	s10 =	smin.u32 s13, $0x45;
	_ =	swait.ge [sflag:s28], $0x2000  }
0x87: {  	s3 =	sshll.u32 s10, $0x7;
	[sflag:s28] =	ssyncset.done $0x0  }
0x88: {  	s3 =	sadd.s32 $0x500, s3;
	[sflag:s28] =	ssyncadd.s32 $0xFFFFE000  }
0x89: {  	[tilespmem:s18], [sflag:$0x3] =	stream.indirect.gather [hbm4b:s4+s14], $0x40, s3, s14, $0xb8;
	[tilespmem:$0x1F000] =	vst v63  }
0x8a: {  	s10 =	smin.u32 s13, $0x44;
	_ =	swait.ge [sflag:s5], $0x2000  }
0x8b: {  	s3 =	sshll.u32 s10, $0x7;
	[sflag:s5] =	ssyncset.done $0x0  }
0x8c: {  	s3 =	sadd.s32 $0x580, s3;
	[sflag:s5] =	ssyncadd.s32 $0xFFFFE000  }
0x8d: {  	[tilespmem:s20], [sflag:$0x4] =	stream.indirect.gather [hbm4b:s4+s14], $0x40, s3, s14, $0xb8;
	[tilespmem:$0x1F000] =	vst v63  }
0x8e: {  	s10 =	smin.u32 s13, $0x43;
	_ =	swait.ge [sflag:s6], $0x2000  }
0x8f: {  	s3 =	sshll.u32 s10, $0x7;
	[sflag:s6] =	ssyncset.done $0x0  }
0x90: {  	s3 =	sadd.s32 $0x600, s3;
	[sflag:s6] =	ssyncadd.s32 $0xFFFFE000  }
0x91: {  	[tilespmem:s22], [sflag:$0x5] =	stream.indirect.gather [hbm4b:s4+s14], $0x40, s3, s14, $0xb8;
	[tilespmem:$0x1F000] =	vst v63  }
0x92: {  	s10 =	smin.u32 s13, $0x42;
	_ =	swait.ge [sflag:s7], $0x2000  }
0x93: {  	s3 =	sshll.u32 s10, $0x7;
	[sflag:s7] =	ssyncset.done $0x0  }
0x94: {  	s3 =	sadd.s32 $0x680, s3;
	[sflag:s7] =	ssyncadd.s32 $0xFFFFE000  }
0x95: {  	[tilespmem:s24], [sflag:$0x6] =	stream.indirect.gather [hbm4b:s4+s14], $0x40, s3, s14, $0xb8;
	[tilespmem:$0x1F000] =	vst v63  }
0x96: {  	s10 =	smin.u32 s13, $0x41;
	_ =	swait.ge [sflag:s8], $0x2000  }
0x97: {  	s3 =	sshll.u32 s10, $0x7;
	[sflag:s8] =	ssyncset.done $0x0  }
0x98: {  	s3 =	sadd.s32 $0x700, s3;
	[sflag:s8] =	ssyncadd.s32 $0xFFFFE000  }
0x99: {  	[tilespmem:s26], [sflag:$0x7] =	stream.indirect.gather [hbm4b:s4+s14], $0x40, s3, s14, $0xb8;
	[tilespmem:$0x1F000] =	vst v63  }
.Ltmp3:
0x9a: {  	_ = 	snop;
	(pc) =	sbr.rel .LBB2_2-.Ltmp3, $4  }
0x9b: {  	s10 =	smin.u32 s13, $0x40;
	_ =	swait.ge [sflag:s9], $0x2000  }
0x9c: {  	s12 =	sadd.s32 $0x1000, s12;
	s3 =	sshll.u32 s10, $0x7;
	[sflag:s9] =	ssyncset.done $0x0  }
0x9d: {  	s13 =	sadd.s32 $0x8, s13;
	s3 =	sadd.s32 $0x780, s3;
	[sflag:s9] =	ssyncadd.s32 $0xFFFFE000  }
0x9e: {  	[tilespmem:s29], [sflag:$0x8] =	stream.indirect.gather [hbm4b:s4+s14], $0x40, s3, s14, $0xb8;
	[tilespmem:$0x1F000] =	vst v63  }
.LBB2_5:
0x9f: {  	_ =	sfence.sel $0x180000  }
0xa0: {  	[bflag:$0x0] =	sbarrier.arrive $0xFFFF  }
0xa1: {  	_ =	strace $0x9000004A  }
0xa2: {  	s0 =	stileid.u32;
	[bflag:$0x2] =	sbarrier.arrive $0xFFFF  }
0xa3: {  	p0 =	sne.s32 s0, $0x0;
	s0 =	rddreg [dreg:$0x2]  }
0xa4: {  	s0 =	sadd.s32 @!p0 $0x100000, s0  }
0xa5: {  	[sflag:s0] =	ssyncadd.tile.s32 @!p0 $0x1;
	_ =	shalt  }
.Lfunc_end2:
_tile_overlayer_lowered:
.L_overlay_start_2:
0xa6: {  	(tag) =	ssettag $0x2  }
0xa7: {  	s0 =	rddreg [dreg:$0x0];
	s2 =	stileid.u32  }
0xa8: {  	s1 =	rddreg [dreg:$0x1];
	p0 =	sne.s32 s2, $0x0  }
0xa9: {  	s3 =	rddreg [dreg:$0x2];
	[bflag:$0x3] =	sbarrier.arrive $0xFFFF;
	s2 =	simm.s32 @!p0 $0x1C11  }
0xaa: {  	[timem:s3], [sflag:s2] =	dma.local @!p0 [hbm:s0], s1  }
0xab: {  	s0 =	simm.s32 @!p0 $0x11  }
0xac: {  	_ =	swait.ge @!p0 [sflag:s0], s1  }
0xad: {  	s1 =	ssub.s32 @!p0 $0x0, s1;
	[sflag:s0] =	ssyncset.done @!p0 $0x0  }
0xae: {  	[sflag:s0] =	ssyncadd.s32 @!p0 s1  }
0xaf: {  	[bflag:$0x3] =	sbarrier.arrive $0xFFFF  }
0xb0: {  	_ =	shalt  }

// kernel: kernel.7.cloned.1.call-start
scs
__scs_entry_jumppad:
0x0: {  	(pc) =	sbr.rel $0x88, $3  }
0x1: {  	(tag) =	ssettag $0x0;
	lr =	simm.s32 $0x1  }
0x2: {  	[smem:$0x3F94] =	sst lr;
	_ =	strace $0xD0000000  }
0x3: {  	_ = 	snop  }
0x4: {  	_ = 	snop  }
0x5: {  	_ = 	snop  }
0x6: {  	_ = 	snop  }
0x7: {  	_ = 	snop  }
__scs_overlays_trampoline_lowered:
0x8: {  	[smem:$0x3FA3] =	sst s0  }
0x9: {  	[smem:$0x3FA4] =	sst s1  }
0xa: {  	[smem:$0x3FA5] =	sst s2  }
0xb: {  	[smem:$0x3FA6] =	sst s3  }
0xc: {  	[smem:$0x3FA7] =	sst s4  }
0xd: {  	[smem:$0x3FA8] =	sst s5  }
0xe: {  	[smem:$0x3FA9] =	sst s6  }
0xf: {  	[smem:$0x3FAA] =	sst s7  }
0x10: {  	[smem:$0x3FAB] =	sst s8  }
0x11: {  	[smem:$0x3FAC] =	sst s9;
	s0 =	simm.s32 @!p0 $0x0  }
0x12: {  	s1 =	sld [smem:$0x3F92];
	s0 =	simm.s32 @p0 $0x1  }
0x13: {  	[smem:$0x3FAD] =	sst s0;
	s0 =	simm.s32 @!p1 $0x0  }
0x14: {  	s2 =	sld [smem:$0x3F91];
	s0 =	simm.s32 @p1 $0x1  }
0x15: {  	[smem:$0x3FAE] =	sst s0;
	s0 =	simm.s32 @!p2 $0x0  }
0x16: {  	s3 =	sld [smem:$0x3FDB];
	s0 =	simm.s32 @p2 $0x1  }
0x17: {  	s4 =	simm.s32 $0x1BF5;
	[smem:$0x3FB0] =	sst s0  }
0x18: {  	s0 =	sld [smem:$0x3F93];
	_ =	swait.ge [sflag:s4], $0x0  }
0x19: {  	s7 =	sld [smem:$0x3F94]  }
0x1a: {  	s8 =	sadd.s32 $0xFFFFE003, lr  }
0x1b: {  	s9 =	sadd.s32 $0xFFFFFEF7, lr;
	s5 =	simm.s32 $0xFFFFFFFF;
	p2 =	slt.u32 s8, $0xFFFFF086  }
0x1c: {  	p1 =	slt.u32 s9, $0xF7A;
	s5 =	simm.s32 @!p2 $0x0  }
0x1d: {  	s5 =	simm.s32 @p1 $0x1;
	p0 =	seq.s32 s7, s2  }
0x1e: {  	s7 =	smul.u32 @!p0 $0xF7A, s2;
	p2 =	seq.s32 @!p0 s5, $0x0  }
0x1f: {  	s9 =	smul.u32 $0xF7A, s1;
	s8 =	simm.s32 @!p0 $0x1BF5;
	p2 =	por !p2, p0  }
0x20: {  	[sflag:s8] =	ssyncset.s32 @!p0 $0xFFFFF086;
	s6 =	sadd.s32 @!p0 s3, s7;
	s7 =	simm.s32 @!p0 $0x108  }
0x21: {  	s3 =	sadd.s32 s3, s9;
	s6 =	sadd.s32 @!p0 $0x88, s6;
	s7 =	simm.s32 @p2 $0x1082  }
0x22: {  	[simem:s7], [sflag:s8] =	dma.local @!p0 [hbm:s6], $0xF7A  }
0x23: {  	s9 =	sor.u32 $0xD0000000, s2;
	s6 =	simm.s32 $0x108;
	_ =	swait.ge @!p0 [sflag:s8], $0x0  }
0x24: {  	s3 =	sadd.s32 $0x88, s3;
	s6 =	simm.s32 @!p1 $0x1082;
	[sflag:s4] =	ssyncset.s32 $0xFFFFF086  }
0x25: {  	[simem:s6], [sflag:s4] =	dma.local [hbm:s3], $0xF7A  }
0x26: {  	[smem:$0x3F94] =	sst s1;
	(tag) =	ssettag s2;
	_ =	strace s9  }
0x27: {  	s1 =	sld [smem:$0x3FA4]  }
0x28: {  	s2 =	sld [smem:$0x3FA5]  }
0x29: {  	s4 =	sld [smem:$0x3FA7]  }
0x2a: {  	p0 =	seq.s32 s5, $0x0;
	s5 =	sld [smem:$0x3FA8]  }
0x2b: {  	s6 =	sld [smem:$0x3FA9]  }
0x2c: {  	s7 =	sld [smem:$0x3FAA]  }
0x2d: {  	s3 =	simm.s32 $0x108;
	s8 =	sld [smem:$0x3FAB]  }
0x2e: {  	s3 =	simm.s32 @!p0 $0x1082;
	s9 =	sld [smem:$0x3FAC]  }
0x2f: {  	lr =	sadd.s32 s0, s3;
	s0 =	sld [smem:$0x3FA3]  }
0x30: {  	s3 =	sld [smem:$0x3FA6]  }
0x31: {  	[smem:$0x3FAF] =	sst s10  }
0x32: {  	s10 =	sld [smem:$0x3FAD];
	_ =	sdelay $0x3  }
0x33: {  	p0 =	seq.s32 s10, $0x1;
	s10 =	sld [smem:$0x3FAF];
	_ =	sdelay $0x3  }
0x34: {  	[smem:$0x3FAF] =	sst s10  }
0x35: {  	s10 =	sld [smem:$0x3FAE];
	_ =	sdelay $0x3  }
0x36: {  	p1 =	seq.s32 s10, $0x1;
	s10 =	sld [smem:$0x3FAF];
	_ =	sdelay $0x3  }
0x37: {  	[smem:$0x3FAF] =	sst s10  }
0x38: {  	s10 =	sld [smem:$0x3FB0]  }
0x39: {  	_ = 	snop;
	(pc) =	sbr.ind lr, $3  }
0x3a: {  	_ = 	snop  }
0x3b: {  	_ = 	snop  }
0x3c: {  	p2 =	seq.s32 s10, $0x1;
	s10 =	sld [smem:$0x3FAF]  }
0x3d: {  	_ =	shalt  }
0x3e: {  	_ =	shalt  }
0x3f: {  	_ =	shalt  }
0x40: {  	_ =	shalt  }
0x41: {  	_ =	shalt  }
0x42: {  	_ =	shalt  }
0x43: {  	_ =	shalt  }
0x44: {  	_ =	shalt  }
0x45: {  	_ =	shalt  }
0x46: {  	_ =	shalt  }
0x47: {  	_ =	shalt  }
0x48: {  	_ =	shalt  }
0x49: {  	_ =	shalt  }
0x4a: {  	_ =	shalt  }
0x4b: {  	_ =	shalt  }
0x4c: {  	_ =	shalt  }
0x4d: {  	_ =	shalt  }
0x4e: {  	_ =	shalt  }
0x4f: {  	_ =	shalt  }
0x50: {  	_ =	shalt  }
0x51: {  	_ =	shalt  }
0x52: {  	_ =	shalt  }
0x53: {  	_ =	shalt  }
0x54: {  	_ =	shalt  }
0x55: {  	_ =	shalt  }
0x56: {  	_ =	shalt  }
0x57: {  	_ =	shalt  }
0x58: {  	_ =	shalt  }
0x59: {  	_ =	shalt  }
0x5a: {  	_ =	shalt  }
0x5b: {  	_ =	shalt  }
0x5c: {  	_ =	shalt  }
0x5d: {  	_ =	shalt  }
0x5e: {  	_ =	shalt  }
0x5f: {  	_ =	shalt  }
0x60: {  	_ =	shalt  }
0x61: {  	_ =	shalt  }
0x62: {  	_ =	shalt  }
0x63: {  	_ =	shalt  }
0x64: {  	_ =	shalt  }
0x65: {  	_ =	shalt  }
0x66: {  	_ =	shalt  }
0x67: {  	_ =	shalt  }
0x68: {  	_ =	shalt  }
0x69: {  	_ =	shalt  }
0x6a: {  	_ =	shalt  }
0x6b: {  	_ =	shalt  }
0x6c: {  	_ =	shalt  }
0x6d: {  	_ =	shalt  }
0x6e: {  	_ =	shalt  }
0x6f: {  	_ =	shalt  }
0x70: {  	_ =	shalt  }
0x71: {  	_ =	shalt  }
0x72: {  	_ =	shalt  }
0x73: {  	_ =	shalt  }
0x74: {  	_ =	shalt  }
0x75: {  	_ =	shalt  }
0x76: {  	_ =	shalt  }
0x77: {  	_ =	shalt  }
0x78: {  	_ =	shalt  }
0x79: {  	_ =	shalt  }
0x7a: {  	_ =	shalt  }
0x7b: {  	_ =	shalt  }
0x7c: {  	_ =	shalt  }
0x7d: {  	_ =	shalt  }
0x7e: {  	_ =	shalt  }
0x7f: {  	_ =	shalt  }
0x80: {  	_ =	shalt  }
0x81: {  	_ =	shalt  }
0x82: {  	_ =	shalt  }
0x83: {  	_ =	shalt  }
0x84: {  	_ =	shalt  }
0x85: {  	_ =	shalt  }
0x86: {  	_ =	shalt  }
0x87: {  	_ =	shalt  }
.Lfunc_end0:
.L_simem_size_0:
called_computation_lowered:
.L_overlay_start_0:
0x88: {  	s2 =	sld [smem:$0x3FD9]  }
0x89: {  	s3 =	sld [smem:$0x3FFE];
	_ =	sdelay $0x1  }
0x8a: {  	s1 =	srdreg.scid  }
0x8b: {  	s0 =	sand.u32 $0x1, s1  }
0x8c: {  	s16 =	sshll.u32 s0, $0xA;
	s2 =	sadd.s32 s3, s2  }
0x8d: {  	s2 =	sadd.s32 s2, s16  }
0x8e: {  	[smem:$0x3FBB] =	sst s2  }
0x8f: {  	_ = 	snop  }
0x90: {  	(tm) =	ssettm $0x1  }
0x91: {  	s17 =	sld [smem:$0x3FFB];
	_ =	sdelay $0x3  }
0x92: {  	_ =	strace s17  }
0x93: {  	s2 =	sld [smem:$0x3FFC];
	_ =	sdelay $0x3  }
0x94: {  	_ =	strace s2  }
0x95: {  	s2 =	sld [smem:$0x3FFD];
	_ =	sdelay $0x3  }
0x96: {  	_ =	strace s2  }
0x97: {  	_ =	strace $0x8FFFFFFF  }
0x98: {  	s18 =	sld [smem:$0x3FDB];
	_ =	sdelay $0x1  }
0x99: {  	s19 =	simm.s32 $_scs_section_size  }
0x9a: {  	s4 =	simm.s32 $_size__tile_overlayer_lowered;
	s5 =	simm.s32 $_tile_overlayer_lowered  }
0x9b: {  	s22 =	simm.s32 $0x1BFF;
	s21 =	sshll.u32 s5, $0x1;
	s2 =	sadd.s32 s19, s18  }
0x9c: {  	s6 =	simm.s32 $0x0;
	s20 =	sshll.u32 s4, $0x1;
	s4 =	sadd.s32 s21, s2  }
0x9d: {  	[timem:s6], [sflag:s22] =	dma.local [hbm:s4], s20  }
0x9e: {  	_ =	swait.ge [sflag:s22], s20  }
0x9f: {  	s3 =	ssub.s32 $0x0, s20;
	[sflag:s22] =	ssyncset.done $0x0  }
0xa0: {  	[sflag:s22] =	ssyncadd.s32 s3;
	_ =	sdelay $0x1  }
0xa1: {  	s23 =	simm.s32 $0x1B8B  }
0xa2: {  	_ =	swait.ge [sflag:s23], $0x1  }
0xa3: {  	[sflag:s23] =	ssyncset.done $0x0  }
0xa4: {  	s25 =	simm.s32 $0x1B8E;
	s24 =	sld [smem:$0x3FFE];
	[sflag:s23] =	ssyncadd.s32 $0xFFFFFFFF  }
0xa5: {  	s26 =	simm.s32 $execute0_lowered;
	[smem:$0x3FD2] =	sst s25  }
0xa6: {  	s4 =	sshll.u32 s26, $0x1;
	_ =	strace $0x80000046;
	[dreg:$0x1] =	wrdreg $0xFFFFFFFF  }
0xa7: {  	s28 =	simm.s32 $_size_execute0_lowered;
	s2 =	sadd.s32 s2, s4;
	[dreg:$0x0] =	wrdreg $0x0  }
0xa8: {  	s4 =	sshll.u32 s28, $0x1;
	[dreg:$0x2] =	wrdreg s2  }
0xa9: {  	[dreg:$0x3] =	wrdreg s4  }
0xaa: {  	[dreg:$0x4] =	wrdreg $0xC0  }
0xab: {  	_ =	task [dreg:s6], $0x5FFFF  }
0xac: {  	[dreg:$0x1] =	wrdreg $0xFFFFFFFF  }
0xad: {  	[dreg:$0x0] =	wrdreg $0x60  }
0xae: {  	[dreg:$0x2] =	wrdreg s24  }
0xaf: {  	[dreg:$0x3] =	wrdreg $0x150000  }
0xb0: {  	[dreg:$0x4] =	wrdreg $0x9  }
0xb1: {  	_ =	task.clear_ibuf [dreg:s6], $0x5FFFF;
	_ =	strace $0x90000046  }
0xb2: {  	s29 =	simm.s32 $0x9;
	_ =	strace $0x80000048  }
0xb3: {  	_ =	swait.ge [sflag:s29], $0x1  }
0xb4: {  	[sflag:s29] =	ssyncadd.s32 $0xFFFFFFFF  }
0xb5: {  	_ =	strace $0x90000048  }
0xb6: {  	_ =	sfence  }
0xb7: {  	s30 =	sld [smem:$0x0];
	_ =	sdelay $0x2  }
0xb8: {  	s31 =	sshll.u32 s1, $0xD;
	s1 =	sshrl.u32 s1, $0x2  }
0xb9: {  	s3 =	sand.u32 $0x4000, s31;
	s1 =	sadd.s32 s1, s30  }
0xba: {  	s0 =	sor.u32 s3, s0;
	s1 =	sshll.u32 s1, $0x11  }
0xbb: {  	s0 =	sor.u32 s1, s0  }
0xbc: {  	s0 =	sadd.s32 $0x8F2B, s0  }
0xbd: {  	[sflag:s0] =	ssyncadd.remote.s32 $0x1  }
0xbe: {  	_ =	sfence.sel $0xFFFF  }
0xbf: {  	[dreg:$0x0] =	wrdreg $0xFFFFFFFF;
	(pc) =	sbr.abs _section_cstart, $3  }
0xc0: {  	[dreg:$0x1] =	wrdreg $0xFFFFFFFF  }
0xc1: {  	_ =	task.clear_ibuf [dreg:s6], $0x2FFFF;
	_ =	strace $0x9FFFFFFF  }
0xc2: {  	(tm) =	ssettm $0x7FFFFFFF  }
0xc3: {  	_ =	shalt  }
tec
execute0_lowered:
.L_overlay_start_1:
0x0: {  	(tag) =	ssettag $0x1  }
0x1: {  	s0 =	srdreg.scid  }
0x2: {  	s9 =	stileid.u32;
	s3 =	rddreg [dreg:$0x0]  }
0x3: {  	s2 =	rddreg [dreg:$0x1];
	s4 =	simm.s32 $0x0;
	s12 =	simm.s32 $0x11  }
0x4: {  	s14 =	simm.s32 $0x80;
	s15 =	simm.s32 $0x5000;
	s16 =	simm.s32 $0x7000  }
0x5: {  	s18 =	simm.s32 $0x9000;
	s20 =	simm.s32 $0xB000;
	s29 =	simm.s32 $0x13000  }
0x6: {  	s30 =	simm.s32 $0x1;
	s31 =	simm.s32 $0x2;
	s11 =	simm.s32 $0x5  }
0x7: {  	s17 =	simm.s32 $0x6;
	s19 =	simm.s32 $0x7;
	s28 =	simm.s32 $0xB  }
0x8: {  	s0 =	sand.u32 $0x1, s0;
	s5 =	smul.u32 $0x9C40, s9;
	[smem:$0x7FF] =	sst s4  }
0x9: {  	s7 =	smul.u32 $0x13880, s9;
	s4 =	sadd.s32 $0x1E00, s3;
	s26 =	sshll.u32 s9, $0x6  }
0xa: {  	s1 =	sshll.u32 s0, $0x4;
	s6 =	smul.u32 $0x138800, s0;
	_ =	strace $0x80000047  }
0xb: {  	s0 =	ssub.s32 $0x2, s0;
	s10 =	sor.u32 $0x1C11, s26;
	s26 =	simm.s32 $0x11000  }
0xc: {  	s1 =	sor.u32 s9, s1;
	s8 =	sshrl.u32 s5, $0x3;
	s22 =	sshrl.u32 s0, $0x1  }
0xd: {  	s24 =	sadd.s32 s5, s2;
	s5 =	simm.s32 $0xC;
	s9 =	simm.s32 $0x10  }
0xe: {  	[dreg:$0x8] =	wrdreg s10;
	s1 =	smul.u32 $0x500, s1;
	s6 =	sadd.s32 s7, s6  }
0xf: {  	s21 =	sadd.s32 s8, s3;
	s0 =	ssub.s32 s0, s22;
	s13 =	sshrl.u32 s24, $0x3  }
0x10: {  	s22 =	simm.s32 $0xD000;
	s24 =	simm.s32 $0xF000;
	s7 =	simm.s32 $0xE  }
0x11: {  	s8 =	simm.s32 $0xF;
	s6 =	sshrl.u32 s6, $0x3;
	s25 =	sadd.s32 $0x29800, s21  }
0x12: {  	s0 =	smax.u32 s0, $0x1;
	s21 =	simm.s32 $0x8;
	[dreg:$0x9] =	wrdreg s13  }
0x13: {  	s1 =	sadd.s32 s1, s3;
	s3 =	sadd.s32 s6, s3;
	[dreg:$0x5] =	wrdreg s25  }
.Ltmp0:
0x14: {  	[dreg:$0x7] =	wrdreg s0;
	s23 =	sadd.s32 $0x15800, s1;
	(pc) =	sbr.rel .LBB2_1-.Ltmp0, $4  }
0x15: {  	s0 =	simm.s32 $0x4;
	s1 =	sadd.s32 $0x1F800, s1;
	[dreg:$0x3] =	wrdreg s23  }
0x16: {  	s25 =	simm.s32 $0xA;
	s3 =	sadd.s32 $0x3D200, s3;
	[dreg:$0x4] =	wrdreg s1  }
0x17: {  	s6 =	simm.s32 $0xD;
	[dreg:$0x6] =	wrdreg s3;
	s3 =	simm.s32 $0x0  }
0x18: {  	s1 =	simm.s32 $0x3;
	s23 =	simm.s32 $0x9;
	[dreg:$0xa] =	wrdreg s3  }
.LBB2_4:
0x19: {  	_ =	swait.ge [sflag:s25], $0x2000  }
0x1a: {  	[sflag:s25] =	ssyncset.done $0x0  }
0x1b: {  	[sflag:s25] =	ssyncadd.s32 $0xFFFFE000  }
0x1c: {  	_ =	swait.ge [sflag:s28], $0x2000  }
0x1d: {  	[sflag:s28] =	ssyncset.done $0x0  }
0x1e: {  	[sflag:s28] =	ssyncadd.s32 $0xFFFFE000  }
0x1f: {  	_ =	swait.ge [sflag:s5], $0x2000  }
0x20: {  	[sflag:s5] =	ssyncset.done $0x0  }
0x21: {  	[sflag:s5] =	ssyncadd.s32 $0xFFFFE000  }
0x22: {  	_ =	swait.ge [sflag:s6], $0x2000  }
0x23: {  	[sflag:s6] =	ssyncset.done $0x0  }
0x24: {  	[sflag:s6] =	ssyncadd.s32 $0xFFFFE000  }
0x25: {  	_ =	swait.ge [sflag:s7], $0x2000  }
0x26: {  	[sflag:s7] =	ssyncset.done $0x0  }
0x27: {  	[sflag:s7] =	ssyncadd.s32 $0xFFFFE000  }
0x28: {  	_ =	swait.ge [sflag:s8], $0x2000  }
0x29: {  	[sflag:s8] =	ssyncset.done $0x0  }
0x2a: {  	[sflag:s8] =	ssyncadd.s32 $0xFFFFE000  }
0x2b: {  	_ =	swait.ge [sflag:s9], $0x2000  }
0x2c: {  	[sflag:s9] =	ssyncset.done $0x0  }
0x2d: {  	[sflag:s9] =	ssyncadd.s32 $0xFFFFE000  }
0x2e: {  	[bflag:$0x0] =	sbarrier.arrive $0xFFFF  }
0x2f: {  	s3 =	rddreg [dreg:$0x6]  }
0x30: {  	s12 =	rddreg [dreg:$0x8]  }
0x31: {  	s10 =	rddreg [dreg:$0x9]  }
0x32: {  	[hbm:s3@s9], [sflag:s12] =	dma.strided [spmem:s10@s21], $0x1388, s30, $0x8   }
0x33: {  	s12 =	simm.s32 $0x11  }
0x34: {  	_ =	swait.ge [sflag:s12], $0x1388  }
0x35: {  	s13 =	rddreg [dreg:$0xa]  }
0x36: {  	s10 =	rddreg [dreg:$0x7];
	s13 =	sadd.s32 $0x1, s13  }
0x37: {  	p0 =	sne.s32 s13, s10  }
.Ltmp1:
0x38: {  	_ = 	snop;
	(pc) =	sbr.rel @!p0 .LBB2_5-.Ltmp1, $3  }
0x39: {  	_ =	sdelay $0x1  }
0x3a: {  	[sflag:s12] =	ssyncset.done $0x0  }
0x3b: {  	[sflag:s12] =	ssyncadd.s32 $0xFFFFEC78;
	[dreg:$0xa] =	wrdreg s13  }
.LBB2_1:
0x3c: {  	s3 =	simm.s32 $0x0;
	s10 =	rddreg [dreg:$0x3]  }
0x3d: {  	[tilespmem:s3], [sflag:$0x11] =	stream.linear.gather [hbm4b:s10+s3], $0x2800, $0x38;
	[tilespmem:$0x1F000] =	vst v63  }
0x3e: {  	_ =	swait.ge [sflag:s12], $0x2800  }
0x3f: {  	s13 =	simm.s32 $0x2800;
	[sflag:s12] =	ssyncset.done $0x0  }
0x40: {  	s3 =	simm.s32 $0x0;
	s10 =	rddreg [dreg:$0x4];
	[sflag:s12] =	ssyncadd.s32 $0xFFFFD800  }
0x41: {  	[tilespmem:s13], [sflag:$0x11] =	stream.linear.gather [hbm4b:s10+s3], $0x2800, $0x38;
	[tilespmem:$0x1F000] =	vst v63  }
0x42: {  	_ =	swait.ge [sflag:s12], $0x2800  }
0x43: {  	s10 =	rddreg [dreg:$0x5]  }
0x44: {  	[sflag:s12] =	ssyncset.done $0x0;
	s3 =	rddreg [dreg:$0x8]  }
0x45: {  	s13 =	rddreg [dreg:$0x9];
	[sflag:s12] =	ssyncadd.s32 $0xFFFFD800  }
0x46: {  	[spmem:s13], [sflag:s3] =	dma.local [hbm:s10], $0x1388  }
0x47: {  	_ =	swait.ge [sflag:s12], $0x1388  }
0x48: {  	[sflag:s12] =	ssyncset.done $0x0  }
0x49: {  	[sflag:s12] =	ssyncadd.s32 $0xFFFFEC78  }
0x4a: {  	s13 =	simm.s32 $0x0;
	[bflag:$0x0] =	sbarrier.arrive $0xFFFF  }
0x4b: {  	[tilespmem:s15], [sflag:$0x1] =	stream.indirect.gather [hbm4b:s4+s14], $0x40, s13, s14, $0xb8;
	[tilespmem:$0x1F000] =	vst v63  }
0x4c: {  	_ = 	snop  }
0x4d: {  	[tilespmem:s16], [sflag:$0x2] =	stream.indirect.gather [hbm4b:s4+s14], $0x40, s14, s14, $0xb8;
	[tilespmem:$0x1F000] =	vst v63  }
0x4e: {  	s10 =	simm.s32 $0x100  }
0x4f: {  	[tilespmem:s18], [sflag:$0x3] =	stream.indirect.gather [hbm4b:s4+s14], $0x40, s10, s14, $0xb8;
	[tilespmem:$0x1F000] =	vst v63  }
0x50: {  	s12 =	simm.s32 $0x180  }
0x51: {  	[tilespmem:s20], [sflag:$0x4] =	stream.indirect.gather [hbm4b:s4+s14], $0x40, s12, s14, $0xb8;
	[tilespmem:$0x1F000] =	vst v63  }
0x52: {  	s13 =	simm.s32 $0x200  }
0x53: {  	[tilespmem:s22], [sflag:$0x5] =	stream.indirect.gather [hbm4b:s4+s14], $0x40, s13, s14, $0xb8;
	[tilespmem:$0x1F000] =	vst v63  }
0x54: {  	s10 =	simm.s32 $0x280  }
0x55: {  	[tilespmem:s24], [sflag:$0x6] =	stream.indirect.gather [hbm4b:s4+s14], $0x40, s10, s14, $0xb8;
	[tilespmem:$0x1F000] =	vst v63  }
0x56: {  	s12 =	simm.s32 $0x300  }
0x57: {  	[tilespmem:s26], [sflag:$0x7] =	stream.indirect.gather [hbm4b:s4+s14], $0x40, s12, s14, $0xb8;
	[tilespmem:$0x1F000] =	vst v63  }
0x58: {  	s13 =	simm.s32 $0x380  }
0x59: {  	[tilespmem:s29], [sflag:$0x8] =	stream.indirect.gather [hbm4b:s4+s14], $0x40, s13, s14, $0xb8;
	[tilespmem:$0x1F000] =	vst v63  }
0x5a: {  	s12 =	simm.s32 $0x0;
	s13 =	simm.s32 $0x0  }
.LBB2_2:
0x5b: {  	_ =	swait.ge [sflag:s30], $0x2000  }
0x5c: {  	s10 =	sshra.s32 s12, $0x2;
	[sflag:s30] =	ssyncset.done $0x0  }
0x5d: {  	s3 =	sadd.s32 $0x2800, s10;
	[sflag:s30] =	ssyncadd.s32 $0xFFFFE000  }
0x5e: {  	[spmem:s2] =	stream.indirect.scatter.add.f32 [tilespmem:s15], [sflag:$0x9], $0x40, s3, s14, $0xb8;
	[tilespmem:$0x1F000] =	vst v63  }
0x5f: {  	_ =	swait.ge [sflag:s31], $0x2000  }
0x60: {  	[sflag:s31] =	ssyncset.done $0x0  }
0x61: {  	s3 =	sadd.s32 $0x2880, s10;
	[sflag:s31] =	ssyncadd.s32 $0xFFFFE000  }
0x62: {  	[spmem:s2] =	stream.indirect.scatter.add.f32 [tilespmem:s16], [sflag:$0xA], $0x40, s3, s14, $0xb8;
	[tilespmem:$0x1F000] =	vst v63  }
0x63: {  	_ =	swait.ge [sflag:s1], $0x2000  }
0x64: {  	[sflag:s1] =	ssyncset.done $0x0  }
0x65: {  	s3 =	sadd.s32 $0x2900, s10;
	[sflag:s1] =	ssyncadd.s32 $0xFFFFE000  }
0x66: {  	[spmem:s2] =	stream.indirect.scatter.add.f32 [tilespmem:s18], [sflag:$0xB], $0x40, s3, s14, $0xb8;
	[tilespmem:$0x1F000] =	vst v63  }
0x67: {  	_ =	swait.ge [sflag:s0], $0x2000  }
0x68: {  	[sflag:s0] =	ssyncset.done $0x0  }
0x69: {  	s3 =	sadd.s32 $0x2980, s10;
	[sflag:s0] =	ssyncadd.s32 $0xFFFFE000  }
0x6a: {  	[spmem:s2] =	stream.indirect.scatter.add.f32 [tilespmem:s20], [sflag:$0xC], $0x40, s3, s14, $0xb8;
	[tilespmem:$0x1F000] =	vst v63  }
0x6b: {  	_ =	swait.ge [sflag:s11], $0x2000  }
0x6c: {  	[sflag:s11] =	ssyncset.done $0x0  }
0x6d: {  	s3 =	sadd.s32 $0x2A00, s10;
	[sflag:s11] =	ssyncadd.s32 $0xFFFFE000  }
0x6e: {  	[spmem:s2] =	stream.indirect.scatter.add.f32 [tilespmem:s22], [sflag:$0xD], $0x40, s3, s14, $0xb8;
	[tilespmem:$0x1F000] =	vst v63  }
0x6f: {  	_ =	swait.ge [sflag:s17], $0x2000  }
0x70: {  	[sflag:s17] =	ssyncset.done $0x0  }
0x71: {  	s3 =	sadd.s32 $0x2A80, s10;
	[sflag:s17] =	ssyncadd.s32 $0xFFFFE000  }
0x72: {  	[spmem:s2] =	stream.indirect.scatter.add.f32 [tilespmem:s24], [sflag:$0xE], $0x40, s3, s14, $0xb8;
	[tilespmem:$0x1F000] =	vst v63  }
0x73: {  	_ =	swait.ge [sflag:s19], $0x2000  }
0x74: {  	[sflag:s19] =	ssyncset.done $0x0  }
0x75: {  	s3 =	sadd.s32 $0x2B00, s10;
	[sflag:s19] =	ssyncadd.s32 $0xFFFFE000  }
0x76: {  	[spmem:s2] =	stream.indirect.scatter.add.f32 [tilespmem:s26], [sflag:$0xF], $0x40, s3, s14, $0xb8;
	[tilespmem:$0x1F000] =	vst v63  }
0x77: {  	_ =	swait.ge [sflag:s21], $0x2000  }
0x78: {  	p0 =	seq.s32 s12, $0x9000;
	[sflag:s21] =	ssyncset.done $0x0  }
.Ltmp2:
0x79: {  	s10 =	sadd.s32 $0x2B80, s10;
	[sflag:s21] =	ssyncadd.s32 $0xFFFFE000;
	(pc) =	sbr.rel @p0 .LBB2_4-.Ltmp2, $4  }
0x7a: {  	[spmem:s2] =	stream.indirect.scatter.add.f32 [tilespmem:s29], [sflag:$0x10], $0x40, s10, s14, $0xb8;
	[tilespmem:$0x1F000] =	vst v63  }
0x7b: {  	_ =	swait.ge [sflag:s23], $0x2000  }
0x7c: {  	[sflag:s23] =	ssyncset.done $0x0  }
0x7d: {  	[sflag:s23] =	ssyncadd.s32 $0xFFFFE000  }
0x7e: {  	s3 =	smin.u32 s13, $0x47  }
0x7f: {  	s3 =	sshll.u32 s3, $0x7  }
0x80: {  	s3 =	sadd.s32 $0x400, s3  }
0x81: {  	[tilespmem:s15], [sflag:$0x1] =	stream.indirect.gather [hbm4b:s4+s14], $0x40, s3, s14, $0xb8;
	[tilespmem:$0x1F000] =	vst v63  }
0x82: {  	s10 =	smin.u32 s13, $0x46;
	_ =	swait.ge [sflag:s25], $0x2000  }
0x83: {  	s3 =	sshll.u32 s10, $0x7;
	[sflag:s25] =	ssyncset.done $0x0  }
0x84: {  	s3 =	sadd.s32 $0x480, s3;
	[sflag:s25] =	ssyncadd.s32 $0xFFFFE000  }
0x85: {  	[tilespmem:s16], [sflag:$0x2] =	stream.indirect.gather [hbm4b:s4+s14], $0x40, s3, s14, $0xb8;
	[tilespmem:$0x1F000] =	vst v63  }
0x86: {  	s10 =	smin.u32 s13, $0x45;
	_ =	swait.ge [sflag:s28], $0x2000  }
0x87: {  	s3 =	sshll.u32 s10, $0x7;
	[sflag:s28] =	ssyncset.done $0x0  }
0x88: {  	s3 =	sadd.s32 $0x500, s3;
	[sflag:s28] =	ssyncadd.s32 $0xFFFFE000  }
0x89: {  	[tilespmem:s18], [sflag:$0x3] =	stream.indirect.gather [hbm4b:s4+s14], $0x40, s3, s14, $0xb8;
	[tilespmem:$0x1F000] =	vst v63  }
0x8a: {  	s10 =	smin.u32 s13, $0x44;
	_ =	swait.ge [sflag:s5], $0x2000  }
0x8b: {  	s3 =	sshll.u32 s10, $0x7;
	[sflag:s5] =	ssyncset.done $0x0  }
0x8c: {  	s3 =	sadd.s32 $0x580, s3;
	[sflag:s5] =	ssyncadd.s32 $0xFFFFE000  }
0x8d: {  	[tilespmem:s20], [sflag:$0x4] =	stream.indirect.gather [hbm4b:s4+s14], $0x40, s3, s14, $0xb8;
	[tilespmem:$0x1F000] =	vst v63  }
0x8e: {  	s10 =	smin.u32 s13, $0x43;
	_ =	swait.ge [sflag:s6], $0x2000  }
0x8f: {  	s3 =	sshll.u32 s10, $0x7;
	[sflag:s6] =	ssyncset.done $0x0  }
0x90: {  	s3 =	sadd.s32 $0x600, s3;
	[sflag:s6] =	ssyncadd.s32 $0xFFFFE000  }
0x91: {  	[tilespmem:s22], [sflag:$0x5] =	stream.indirect.gather [hbm4b:s4+s14], $0x40, s3, s14, $0xb8;
	[tilespmem:$0x1F000] =	vst v63  }
0x92: {  	s10 =	smin.u32 s13, $0x42;
	_ =	swait.ge [sflag:s7], $0x2000  }
0x93: {  	s3 =	sshll.u32 s10, $0x7;
	[sflag:s7] =	ssyncset.done $0x0  }
0x94: {  	s3 =	sadd.s32 $0x680, s3;
	[sflag:s7] =	ssyncadd.s32 $0xFFFFE000  }
0x95: {  	[tilespmem:s24], [sflag:$0x6] =	stream.indirect.gather [hbm4b:s4+s14], $0x40, s3, s14, $0xb8;
	[tilespmem:$0x1F000] =	vst v63  }
0x96: {  	s10 =	smin.u32 s13, $0x41;
	_ =	swait.ge [sflag:s8], $0x2000  }
0x97: {  	s3 =	sshll.u32 s10, $0x7;
	[sflag:s8] =	ssyncset.done $0x0  }
0x98: {  	s3 =	sadd.s32 $0x700, s3;
	[sflag:s8] =	ssyncadd.s32 $0xFFFFE000  }
0x99: {  	[tilespmem:s26], [sflag:$0x7] =	stream.indirect.gather [hbm4b:s4+s14], $0x40, s3, s14, $0xb8;
	[tilespmem:$0x1F000] =	vst v63  }
.Ltmp3:
0x9a: {  	_ = 	snop;
	(pc) =	sbr.rel .LBB2_2-.Ltmp3, $4  }
0x9b: {  	s10 =	smin.u32 s13, $0x40;
	_ =	swait.ge [sflag:s9], $0x2000  }
0x9c: {  	s12 =	sadd.s32 $0x1000, s12;
	s3 =	sshll.u32 s10, $0x7;
	[sflag:s9] =	ssyncset.done $0x0  }
0x9d: {  	s13 =	sadd.s32 $0x8, s13;
	s3 =	sadd.s32 $0x780, s3;
	[sflag:s9] =	ssyncadd.s32 $0xFFFFE000  }
0x9e: {  	[tilespmem:s29], [sflag:$0x8] =	stream.indirect.gather [hbm4b:s4+s14], $0x40, s3, s14, $0xb8;
	[tilespmem:$0x1F000] =	vst v63  }
.LBB2_5:
0x9f: {  	_ =	sfence.sel $0x180000  }
0xa0: {  	[bflag:$0x0] =	sbarrier.arrive $0xFFFF  }
0xa1: {  	_ =	strace $0x90000047  }
0xa2: {  	s0 =	stileid.u32;
	[bflag:$0x2] =	sbarrier.arrive $0xFFFF  }
0xa3: {  	p0 =	sne.s32 s0, $0x0;
	s0 =	rddreg [dreg:$0x2]  }
0xa4: {  	s0 =	sadd.s32 @!p0 $0x100000, s0  }
0xa5: {  	[sflag:s0] =	ssyncadd.tile.s32 @!p0 $0x1;
	_ =	shalt  }
.Lfunc_end2:
_tile_overlayer_lowered:
.L_overlay_start_2:
0xa6: {  	(tag) =	ssettag $0x2  }
0xa7: {  	s0 =	rddreg [dreg:$0x0];
	s2 =	stileid.u32  }
0xa8: {  	s1 =	rddreg [dreg:$0x1];
	p0 =	sne.s32 s2, $0x0  }
0xa9: {  	s3 =	rddreg [dreg:$0x2];
	[bflag:$0x3] =	sbarrier.arrive $0xFFFF;
	s2 =	simm.s32 @!p0 $0x1C11  }
0xaa: {  	[timem:s3], [sflag:s2] =	dma.local @!p0 [hbm:s0], s1  }
0xab: {  	s0 =	simm.s32 @!p0 $0x11  }
0xac: {  	_ =	swait.ge @!p0 [sflag:s0], s1  }
0xad: {  	s1 =	ssub.s32 @!p0 $0x0, s1;
	[sflag:s0] =	ssyncset.done @!p0 $0x0  }
0xae: {  	[sflag:s0] =	ssyncadd.s32 @!p0 s1  }
0xaf: {  	[bflag:$0x3] =	sbarrier.arrive $0xFFFF  }
0xb0: {  	_ =	shalt  }

</sc_bundles>
